<compile_context>
chip_gen: v7x
topology: tpu7x:2x2x1
jax: 0.10.2.dev20260603
libtpu: 0.0.44.dev20260713+nightly
codegen_flags: <defaults>
</compile_context>

<pallas_src>
import functools

import jax
import jax.numpy as jnp
from jax import lax
from jax.experimental import pallas as pl
from jax.experimental.pallas import tpu as pltpu
from jax.experimental.pallas import tpu_sc as plsc

B = 4
E = 32
N = 64 * 64 * 64
TOTAL = B * N
NW = 32
C = 1024
NCH = TOTAL // (NW * C)
G = 128
NG = C // G
L = 16


def _sc_body(v_hbm, table_hbm, out_hbm, idx_v, rows_v, out_t, gsem, wsem):
    cid = lax.axis_index("c")
    sid = lax.axis_index("s")
    wid = sid * 2 + cid

    def chunk_body(ch, carry):
        cix = wid * NCH + ch
        base = cix * C
        pltpu.sync_copy(v_hbm.at[pl.ds(cix * NG, NG)], idx_v)
        descs = [
            pltpu.async_copy(
                table_hbm.at[idx_v.at[j]], rows_v.at[pl.ds(j * G, G)], gsem
            )
            for j in range(NG)
        ]
        for d in descs:
            d.wait()
        def tr_body(i, carry2):
            rix = i * L + lax.iota(jnp.int32, L)
            for e in range(E):
                eix = jnp.full((L,), e, jnp.int32)
                out_t[e, pl.ds(i * L, L)] = plsc.load_gather(rows_v, [rix, eix])
            return carry2

        lax.fori_loop(0, C // L, tr_body, 0)
        b = base >> 18
        col = base & (N - 1)
        wdescs = [
            pltpu.async_copy(
                out_t.at[e],
                out_hbm.at[pl.ds(pl.multiple_of((b * E + e) * N + col, 8), C)],
                wsem,
            )
            for e in range(E)
        ]
        for d in wdescs:
            d.wait()
        return carry

    lax.fori_loop(0, NCH, chunk_body, 0)


@functools.partial(jax.jit, static_argnames=())
def kernel(v, table):
    mesh = plsc.VectorSubcoreMesh(core_axis_name="c", subcore_axis_name="s")
    k = functools.partial(
        pl.kernel,
        mesh=mesh,
        compiler_params=pltpu.CompilerParams(
            use_tc_tiling_on_sc=False, needs_layout_passes=False
        ),
        out_type=jax.ShapeDtypeStruct((B * E * N,), jnp.float32),
        scratch_types=[
            pltpu.VMEM((NG, G), jnp.int32),
            pltpu.VMEM((C, E), jnp.float32),
            pltpu.VMEM((E, C), jnp.float32),
            pltpu.SemaphoreType.DMA,
            pltpu.SemaphoreType.DMA,
        ],
    )(_sc_body)
    v2d = v.reshape(TOTAL // G, G)
    out = k(v2d, table)
    return out.reshape(B, E, 64, 64, 64)

# --- scband reference (transcript-rebuilt; emitter-appended) ---
"""Pipeline reference for scband-voxel-embedding-24885040513390 (READ-ONLY COPY).

The authoritative reference and input builder live on the scoring server;
editing this copy changes nothing except your own understanding.
"""

import jax, jax.numpy as jnp
import numpy as np

NUM_EMB = 100000
EMB_DIM = 32

def setup_inputs(seed: int = 0) -> dict:
    key = jax.random.key(seed)
    k1, k2 = jax.random.split(key)
    v = jax.random.randint(k1, (4, 64, 64, 64), 0, NUM_EMB, dtype=jnp.int32)
    table = jax.random.normal(k2, (NUM_EMB, EMB_DIM), dtype=jnp.float32)
    # padding_idx=0 -> row 0 is zeros
    table = table.at[0].set(0.0)
    return {"v": v, "table": table}

def reference(v, table):
    # nn.Embedding lookup: v [B, D, H, W] -> [B, D, H, W, E]
    emb = jnp.take(table, v, axis=0)
    # squeeze(1) is a no-op here (dim 1 = D = 64)
    # permute (0, 4, 1, 2, 3) -> [B, E, D, H, W]
    return jnp.transpose(emb, (0, 4, 1, 2, 3))

if __name__ == "__main__":
    import jax
    _d = setup_inputs()
    print(jax.jit(kernel)(*tuple(_d.values())))

</pallas_src>

<mosaic_0001>
#map = affine_map<(d0, d1) -> (0, 0)>
#map1 = affine_map<(d0, d1) -> (0)>
module attributes {stable_mosaic.version = 14 : i64} {
  func.func @_sc_body(%arg0: i32, %arg1: i32, %arg2: memref<8192x128xi32, #tpu.memory_space<hbm>>, %arg3: memref<100000x32xf32, #tpu.memory_space<hbm>>, %arg4: memref<33554432xf32, #tpu.memory_space<hbm>>, %arg5: memref<8x128xi32, #tpu.memory_space<vmem>>, %arg6: memref<1024x32xf32, #tpu.memory_space<vmem>>, %arg7: memref<32x1024xf32, #tpu.memory_space<vmem>>, %arg8: memref<!tpu.dma_semaphore, #tpu.memory_space<semaphore_mem>>, %arg9: memref<!tpu.dma_semaphore, #tpu.memory_space<semaphore_mem>>) attributes {dimension_semantics = [#tpu.dimension_semantics<core_parallel>, #tpu.dimension_semantics<subcore_parallel>], iteration_bounds = array<i64: 2, 16>, scalar_prefetch = 0 : i64, scratch_operands = 5 : i64, tpu.core_type = #tpu.core_type<sc_vector_subcore>, window_params = [{transform_indices = #map}, {transform_indices = #map}, {transform_indices = #map1}]} {
    %mul3A = arith.constant 2 : i32
    %mul3A_0 = arith.muli %arg1, %mul3A : i32
    %add3A = arith.addi %mul3A_0, %arg0 : i32
    %scan3A = arith.constant 0 : i32
    %scan3A_1 = arith.constant 0 : i32
    %scan3A_2 = arith.constant 32 : i32
    %scan3A_3 = arith.addi %scan3A_1, %scan3A_2 : i32
    %scan3A_4 = arith.constant 1 : i32
    scf.for %scan3A_6 = %scan3A_1 to %scan3A_3 step %scan3A_4  : i32 {
      %mul3A_7 = arith.constant 32 : i32
      %mul3A_8 = arith.muli %add3A, %mul3A_7 : i32
      %add3A_9 = arith.addi %mul3A_8, %scan3A_6 : i32
      %mul3A_10 = arith.constant 1024 : i32
      %mul3A_11 = arith.muli %add3A_9, %mul3A_10 : i32
      %mul3A_12 = arith.constant 8 : i32
      %mul3A_13 = arith.muli %add3A_9, %mul3A_12 : i32
      "tpu.region"() ({
        %run_scoped3A = tpu.sem_alloc : memref<!tpu.dma_semaphore, #tpu.memory_space<semaphore_mem>>
        %dma_start3A_1011 = arith.constant 0 : i32
        %dma_start3A_1012 = tpu.memref_slice %arg2[%mul3A_13, %dma_start3A_1011] : memref<8192x128xi32, #tpu.memory_space<hbm>> -> memref<8x128xi32, #tpu.memory_space<hbm>>
        %dma_start3A_1013 = arith.constant 0 : i32
        %dma_start3A_1014 = tpu.memref_slice %arg2[%mul3A_13, %dma_start3A_1013] : memref<8192x128xi32, #tpu.memory_space<hbm>> -> memref<8x128xi32, #tpu.memory_space<hbm>>
        tpu.enqueue_dma source(%dma_start3A_1014 : memref<8x128xi32, #tpu.memory_space<hbm>>) target(%arg5 : memref<8x128xi32, #tpu.memory_space<vmem>>) target_semaphore(%run_scoped3A : memref<!tpu.dma_semaphore, #tpu.memory_space<semaphore_mem>>)
        %dma_wait3A_1015 = arith.constant 0 : i32
        %dma_wait3A_1016 = tpu.memref_slice %arg2[%mul3A_13, %dma_wait3A_1015] : memref<8192x128xi32, #tpu.memory_space<hbm>> -> memref<8x128xi32, #tpu.memory_space<hbm>>
        %dma_wait3A_1017 = arith.constant 0 : i32
        %dma_wait3A_1018 = tpu.memref_slice %arg2[%mul3A_13, %dma_wait3A_1017] : memref<8192x128xi32, #tpu.memory_space<hbm>> -> memref<8x128xi32, #tpu.memory_space<hbm>>
        tpu.wait_dma2 semaphore(%run_scoped3A : memref<!tpu.dma_semaphore, #tpu.memory_space<semaphore_mem>>) src(%dma_wait3A_1018 : memref<8x128xi32, #tpu.memory_space<hbm>>) dst(%arg5 : memref<8x128xi32, #tpu.memory_space<vmem>>)
        tpu.yield
      }) : () -> ()
      %dma_start3A = arith.constant 0 : i32
      %dma_start3A_14 = arith.constant 0 : i32
      %dma_start3A_15 = arith.constant 0 : i32
      %dma_start3A_16 = tpu.memref_slice %arg6[%dma_start3A_14, %dma_start3A_15] : memref<1024x32xf32, #tpu.memory_space<vmem>> -> memref<128x32xf32, #tpu.memory_space<vmem>>
      %dma_start3A_17 = arith.constant 0 : i32
      %dma_start3A_18 = tpu.memref_slice %arg5[%dma_start3A, %dma_start3A_17] : memref<8x128xi32, #tpu.memory_space<vmem>> -> memref<1x128xi32, #tpu.memory_space<vmem>>
      %dma_start3A_19 = tpu.memref_squeeze %dma_start3A_18 : memref<1x128xi32, #tpu.memory_space<vmem>> -> memref<128xi32, #tpu.memory_space<vmem>>
      %dma_start3A_20 = arith.constant 0 : i32
      %dma_start3A_21 = arith.constant 0 : i32
      %dma_start3A_22 = tpu.memref_slice %arg3[%dma_start3A_20, %dma_start3A_21] : memref<100000x32xf32, #tpu.memory_space<hbm>> -> memref<100000x32xf32, #tpu.memory_space<hbm>>
      tpu.enqueue_indirect_dma source(%dma_start3A_22 : memref<100000x32xf32, #tpu.memory_space<hbm>>) target(%dma_start3A_16 : memref<128x32xf32, #tpu.memory_space<vmem>>) offsets(%dma_start3A_19 : memref<128xi32, #tpu.memory_space<vmem>>) semaphore(%arg8 : memref<!tpu.dma_semaphore, #tpu.memory_space<semaphore_mem>>)
      %dma_start3A_23 = arith.constant 1 : i32
      %dma_start3A_24 = arith.constant 128 : i32
      %dma_start3A_25 = arith.constant 0 : i32
      %dma_start3A_26 = tpu.memref_slice %arg6[%dma_start3A_24, %dma_start3A_25] : memref<1024x32xf32, #tpu.memory_space<vmem>> -> memref<128x32xf32, #tpu.memory_space<vmem>>
      %dma_start3A_27 = arith.constant 0 : i32
      %dma_start3A_28 = tpu.memref_slice %arg5[%dma_start3A_23, %dma_start3A_27] : memref<8x128xi32, #tpu.memory_space<vmem>> -> memref<1x128xi32, #tpu.memory_space<vmem>>
      %dma_start3A_29 = tpu.memref_squeeze %dma_start3A_28 : memref<1x128xi32, #tpu.memory_space<vmem>> -> memref<128xi32, #tpu.memory_space<vmem>>
      %dma_start3A_30 = arith.constant 0 : i32
      %dma_start3A_31 = arith.constant 0 : i32
      %dma_start3A_32 = tpu.memref_slice %arg3[%dma_start3A_30, %dma_start3A_31] : memref<100000x32xf32, #tpu.memory_space<hbm>> -> memref<100000x32xf32, #tpu.memory_space<hbm>>
      tpu.enqueue_indirect_dma source(%dma_start3A_32 : memref<100000x32xf32, #tpu.memory_space<hbm>>) target(%dma_start3A_26 : memref<128x32xf32, #tpu.memory_space<vmem>>) offsets(%dma_start3A_29 : memref<128xi32, #tpu.memory_space<vmem>>) semaphore(%arg8 : memref<!tpu.dma_semaphore, #tpu.memory_space<semaphore_mem>>)
      %dma_start3A_33 = arith.constant 2 : i32
      %dma_start3A_34 = arith.constant 256 : i32
      %dma_start3A_35 = arith.constant 0 : i32
      %dma_start3A_36 = tpu.memref_slice %arg6[%dma_start3A_34, %dma_start3A_35] : memref<1024x32xf32, #tpu.memory_space<vmem>> -> memref<128x32xf32, #tpu.memory_space<vmem>>
      %dma_start3A_37 = arith.constant 0 : i32
      %dma_start3A_38 = tpu.memref_slice %arg5[%dma_start3A_33, %dma_start3A_37] : memref<8x128xi32, #tpu.memory_space<vmem>> -> memref<1x128xi32, #tpu.memory_space<vmem>>
      %dma_start3A_39 = tpu.memref_squeeze %dma_start3A_38 : memref<1x128xi32, #tpu.memory_space<vmem>> -> memref<128xi32, #tpu.memory_space<vmem>>
      %dma_start3A_40 = arith.constant 0 : i32
      %dma_start3A_41 = arith.constant 0 : i32
      %dma_start3A_42 = tpu.memref_slice %arg3[%dma_start3A_40, %dma_start3A_41] : memref<100000x32xf32, #tpu.memory_space<hbm>> -> memref<100000x32xf32, #tpu.memory_space<hbm>>
      tpu.enqueue_indirect_dma source(%dma_start3A_42 : memref<100000x32xf32, #tpu.memory_space<hbm>>) target(%dma_start3A_36 : memref<128x32xf32, #tpu.memory_space<vmem>>) offsets(%dma_start3A_39 : memref<128xi32, #tpu.memory_space<vmem>>) semaphore(%arg8 : memref<!tpu.dma_semaphore, #tpu.memory_space<semaphore_mem>>)
      %dma_start3A_43 = arith.constant 3 : i32
      %dma_start3A_44 = arith.constant 384 : i32
      %dma_start3A_45 = arith.constant 0 : i32
      %dma_start3A_46 = tpu.memref_slice %arg6[%dma_start3A_44, %dma_start3A_45] : memref<1024x32xf32, #tpu.memory_space<vmem>> -> memref<128x32xf32, #tpu.memory_space<vmem>>
      %dma_start3A_47 = arith.constant 0 : i32
      %dma_start3A_48 = tpu.memref_slice %arg5[%dma_start3A_43, %dma_start3A_47] : memref<8x128xi32, #tpu.memory_space<vmem>> -> memref<1x128xi32, #tpu.memory_space<vmem>>
      %dma_start3A_49 = tpu.memref_squeeze %dma_start3A_48 : memref<1x128xi32, #tpu.memory_space<vmem>> -> memref<128xi32, #tpu.memory_space<vmem>>
      %dma_start3A_50 = arith.constant 0 : i32
      %dma_start3A_51 = arith.constant 0 : i32
      %dma_start3A_52 = tpu.memref_slice %arg3[%dma_start3A_50, %dma_start3A_51] : memref<100000x32xf32, #tpu.memory_space<hbm>> -> memref<100000x32xf32, #tpu.memory_space<hbm>>
      tpu.enqueue_indirect_dma source(%dma_start3A_52 : memref<100000x32xf32, #tpu.memory_space<hbm>>) target(%dma_start3A_46 : memref<128x32xf32, #tpu.memory_space<vmem>>) offsets(%dma_start3A_49 : memref<128xi32, #tpu.memory_space<vmem>>) semaphore(%arg8 : memref<!tpu.dma_semaphore, #tpu.memory_space<semaphore_mem>>)
      %dma_start3A_53 = arith.constant 4 : i32
      %dma_start3A_54 = arith.constant 512 : i32
      %dma_start3A_55 = arith.constant 0 : i32
      %dma_start3A_56 = tpu.memref_slice %arg6[%dma_start3A_54, %dma_start3A_55] : memref<1024x32xf32, #tpu.memory_space<vmem>> -> memref<128x32xf32, #tpu.memory_space<vmem>>
      %dma_start3A_57 = arith.constant 0 : i32
      %dma_start3A_58 = tpu.memref_slice %arg5[%dma_start3A_53, %dma_start3A_57] : memref<8x128xi32, #tpu.memory_space<vmem>> -> memref<1x128xi32, #tpu.memory_space<vmem>>
      %dma_start3A_59 = tpu.memref_squeeze %dma_start3A_58 : memref<1x128xi32, #tpu.memory_space<vmem>> -> memref<128xi32, #tpu.memory_space<vmem>>
      %dma_start3A_60 = arith.constant 0 : i32
      %dma_start3A_61 = arith.constant 0 : i32
      %dma_start3A_62 = tpu.memref_slice %arg3[%dma_start3A_60, %dma_start3A_61] : memref<100000x32xf32, #tpu.memory_space<hbm>> -> memref<100000x32xf32, #tpu.memory_space<hbm>>
      tpu.enqueue_indirect_dma source(%dma_start3A_62 : memref<100000x32xf32, #tpu.memory_space<hbm>>) target(%dma_start3A_56 : memref<128x32xf32, #tpu.memory_space<vmem>>) offsets(%dma_start3A_59 : memref<128xi32, #tpu.memory_space<vmem>>) semaphore(%arg8 : memref<!tpu.dma_semaphore, #tpu.memory_space<semaphore_mem>>)
      %dma_start3A_63 = arith.constant 5 : i32
      %dma_start3A_64 = arith.constant 640 : i32
      %dma_start3A_65 = arith.constant 0 : i32
      %dma_start3A_66 = tpu.memref_slice %arg6[%dma_start3A_64, %dma_start3A_65] : memref<1024x32xf32, #tpu.memory_space<vmem>> -> memref<128x32xf32, #tpu.memory_space<vmem>>
      %dma_start3A_67 = arith.constant 0 : i32
      %dma_start3A_68 = tpu.memref_slice %arg5[%dma_start3A_63, %dma_start3A_67] : memref<8x128xi32, #tpu.memory_space<vmem>> -> memref<1x128xi32, #tpu.memory_space<vmem>>
      %dma_start3A_69 = tpu.memref_squeeze %dma_start3A_68 : memref<1x128xi32, #tpu.memory_space<vmem>> -> memref<128xi32, #tpu.memory_space<vmem>>
      %dma_start3A_70 = arith.constant 0 : i32
      %dma_start3A_71 = arith.constant 0 : i32
      %dma_start3A_72 = tpu.memref_slice %arg3[%dma_start3A_70, %dma_start3A_71] : memref<100000x32xf32, #tpu.memory_space<hbm>> -> memref<100000x32xf32, #tpu.memory_space<hbm>>
      tpu.enqueue_indirect_dma source(%dma_start3A_72 : memref<100000x32xf32, #tpu.memory_space<hbm>>) target(%dma_start3A_66 : memref<128x32xf32, #tpu.memory_space<vmem>>) offsets(%dma_start3A_69 : memref<128xi32, #tpu.memory_space<vmem>>) semaphore(%arg8 : memref<!tpu.dma_semaphore, #tpu.memory_space<semaphore_mem>>)
      %dma_start3A_73 = arith.constant 6 : i32
      %dma_start3A_74 = arith.constant 768 : i32
      %dma_start3A_75 = arith.constant 0 : i32
      %dma_start3A_76 = tpu.memref_slice %arg6[%dma_start3A_74, %dma_start3A_75] : memref<1024x32xf32, #tpu.memory_space<vmem>> -> memref<128x32xf32, #tpu.memory_space<vmem>>
      %dma_start3A_77 = arith.constant 0 : i32
      %dma_start3A_78 = tpu.memref_slice %arg5[%dma_start3A_73, %dma_start3A_77] : memref<8x128xi32, #tpu.memory_space<vmem>> -> memref<1x128xi32, #tpu.memory_space<vmem>>
      %dma_start3A_79 = tpu.memref_squeeze %dma_start3A_78 : memref<1x128xi32, #tpu.memory_space<vmem>> -> memref<128xi32, #tpu.memory_space<vmem>>
      %dma_start3A_80 = arith.constant 0 : i32
      %dma_start3A_81 = arith.constant 0 : i32
      %dma_start3A_82 = tpu.memref_slice %arg3[%dma_start3A_80, %dma_start3A_81] : memref<100000x32xf32, #tpu.memory_space<hbm>> -> memref<100000x32xf32, #tpu.memory_space<hbm>>
      tpu.enqueue_indirect_dma source(%dma_start3A_82 : memref<100000x32xf32, #tpu.memory_space<hbm>>) target(%dma_start3A_76 : memref<128x32xf32, #tpu.memory_space<vmem>>) offsets(%dma_start3A_79 : memref<128xi32, #tpu.memory_space<vmem>>) semaphore(%arg8 : memref<!tpu.dma_semaphore, #tpu.memory_space<semaphore_mem>>)
      %dma_start3A_83 = arith.constant 7 : i32
      %dma_start3A_84 = arith.constant 896 : i32
      %dma_start3A_85 = arith.constant 0 : i32
      %dma_start3A_86 = tpu.memref_slice %arg6[%dma_start3A_84, %dma_start3A_85] : memref<1024x32xf32, #tpu.memory_space<vmem>> -> memref<128x32xf32, #tpu.memory_space<vmem>>
      %dma_start3A_87 = arith.constant 0 : i32
      %dma_start3A_88 = tpu.memref_slice %arg5[%dma_start3A_83, %dma_start3A_87] : memref<8x128xi32, #tpu.memory_space<vmem>> -> memref<1x128xi32, #tpu.memory_space<vmem>>
      %dma_start3A_89 = tpu.memref_squeeze %dma_start3A_88 : memref<1x128xi32, #tpu.memory_space<vmem>> -> memref<128xi32, #tpu.memory_space<vmem>>
      %dma_start3A_90 = arith.constant 0 : i32
      %dma_start3A_91 = arith.constant 0 : i32
      %dma_start3A_92 = tpu.memref_slice %arg3[%dma_start3A_90, %dma_start3A_91] : memref<100000x32xf32, #tpu.memory_space<hbm>> -> memref<100000x32xf32, #tpu.memory_space<hbm>>
      tpu.enqueue_indirect_dma source(%dma_start3A_92 : memref<100000x32xf32, #tpu.memory_space<hbm>>) target(%dma_start3A_86 : memref<128x32xf32, #tpu.memory_space<vmem>>) offsets(%dma_start3A_89 : memref<128xi32, #tpu.memory_space<vmem>>) semaphore(%arg8 : memref<!tpu.dma_semaphore, #tpu.memory_space<semaphore_mem>>)
      %dma_wait3A = arith.constant 0 : i32
      %dma_wait3A_93 = arith.constant 0 : i32
      %dma_wait3A_94 = arith.constant 0 : i32
      %dma_wait3A_95 = tpu.memref_slice %arg6[%dma_wait3A_93, %dma_wait3A_94] : memref<1024x32xf32, #tpu.memory_space<vmem>> -> memref<128x32xf32, #tpu.memory_space<vmem>>
      %dma_wait3A_96 = arith.constant 0 : i32
      %dma_wait3A_97 = tpu.memref_slice %arg5[%dma_wait3A, %dma_wait3A_96] : memref<8x128xi32, #tpu.memory_space<vmem>> -> memref<1x128xi32, #tpu.memory_space<vmem>>
      %dma_wait3A_98 = tpu.memref_squeeze %dma_wait3A_97 : memref<1x128xi32, #tpu.memory_space<vmem>> -> memref<128xi32, #tpu.memory_space<vmem>>
      %dma_wait3A_99 = arith.constant 0 : i32
      %dma_wait3A_100 = arith.constant 0 : i32
      %dma_wait3A_101 = tpu.memref_slice %arg3[%dma_wait3A_99, %dma_wait3A_100] : memref<100000x32xf32, #tpu.memory_space<hbm>> -> memref<100000x32xf32, #tpu.memory_space<hbm>>
      tpu.wait_indirect_dma semaphore(%arg8 : memref<!tpu.dma_semaphore, #tpu.memory_space<semaphore_mem>>) src(%dma_wait3A_101 : memref<100000x32xf32, #tpu.memory_space<hbm>>) dst(%dma_wait3A_95 : memref<128x32xf32, #tpu.memory_space<vmem>>)
      %dma_wait3A_102 = arith.constant 1 : i32
      %dma_wait3A_103 = arith.constant 128 : i32
      %dma_wait3A_104 = arith.constant 0 : i32
      %dma_wait3A_105 = tpu.memref_slice %arg6[%dma_wait3A_103, %dma_wait3A_104] : memref<1024x32xf32, #tpu.memory_space<vmem>> -> memref<128x32xf32, #tpu.memory_space<vmem>>
      %dma_wait3A_106 = arith.constant 0 : i32
      %dma_wait3A_107 = tpu.memref_slice %arg5[%dma_wait3A_102, %dma_wait3A_106] : memref<8x128xi32, #tpu.memory_space<vmem>> -> memref<1x128xi32, #tpu.memory_space<vmem>>
      %dma_wait3A_108 = tpu.memref_squeeze %dma_wait3A_107 : memref<1x128xi32, #tpu.memory_space<vmem>> -> memref<128xi32, #tpu.memory_space<vmem>>
      %dma_wait3A_109 = arith.constant 0 : i32
      %dma_wait3A_110 = arith.constant 0 : i32
      %dma_wait3A_111 = tpu.memref_slice %arg3[%dma_wait3A_109, %dma_wait3A_110] : memref<100000x32xf32, #tpu.memory_space<hbm>> -> memref<100000x32xf32, #tpu.memory_space<hbm>>
      tpu.wait_indirect_dma semaphore(%arg8 : memref<!tpu.dma_semaphore, #tpu.memory_space<semaphore_mem>>) src(%dma_wait3A_111 : memref<100000x32xf32, #tpu.memory_space<hbm>>) dst(%dma_wait3A_105 : memref<128x32xf32, #tpu.memory_space<vmem>>)
      %dma_wait3A_112 = arith.constant 2 : i32
      %dma_wait3A_113 = arith.constant 256 : i32
      %dma_wait3A_114 = arith.constant 0 : i32
      %dma_wait3A_115 = tpu.memref_slice %arg6[%dma_wait3A_113, %dma_wait3A_114] : memref<1024x32xf32, #tpu.memory_space<vmem>> -> memref<128x32xf32, #tpu.memory_space<vmem>>
      %dma_wait3A_116 = arith.constant 0 : i32
      %dma_wait3A_117 = tpu.memref_slice %arg5[%dma_wait3A_112, %dma_wait3A_116] : memref<8x128xi32, #tpu.memory_space<vmem>> -> memref<1x128xi32, #tpu.memory_space<vmem>>
      %dma_wait3A_118 = tpu.memref_squeeze %dma_wait3A_117 : memref<1x128xi32, #tpu.memory_space<vmem>> -> memref<128xi32, #tpu.memory_space<vmem>>
      %dma_wait3A_119 = arith.constant 0 : i32
      %dma_wait3A_120 = arith.constant 0 : i32
      %dma_wait3A_121 = tpu.memref_slice %arg3[%dma_wait3A_119, %dma_wait3A_120] : memref<100000x32xf32, #tpu.memory_space<hbm>> -> memref<100000x32xf32, #tpu.memory_space<hbm>>
      tpu.wait_indirect_dma semaphore(%arg8 : memref<!tpu.dma_semaphore, #tpu.memory_space<semaphore_mem>>) src(%dma_wait3A_121 : memref<100000x32xf32, #tpu.memory_space<hbm>>) dst(%dma_wait3A_115 : memref<128x32xf32, #tpu.memory_space<vmem>>)
      %dma_wait3A_122 = arith.constant 3 : i32
      %dma_wait3A_123 = arith.constant 384 : i32
      %dma_wait3A_124 = arith.constant 0 : i32
      %dma_wait3A_125 = tpu.memref_slice %arg6[%dma_wait3A_123, %dma_wait3A_124] : memref<1024x32xf32, #tpu.memory_space<vmem>> -> memref<128x32xf32, #tpu.memory_space<vmem>>
      %dma_wait3A_126 = arith.constant 0 : i32
      %dma_wait3A_127 = tpu.memref_slice %arg5[%dma_wait3A_122, %dma_wait3A_126] : memref<8x128xi32, #tpu.memory_space<vmem>> -> memref<1x128xi32, #tpu.memory_space<vmem>>
      %dma_wait3A_128 = tpu.memref_squeeze %dma_wait3A_127 : memref<1x128xi32, #tpu.memory_space<vmem>> -> memref<128xi32, #tpu.memory_space<vmem>>
      %dma_wait3A_129 = arith.constant 0 : i32
      %dma_wait3A_130 = arith.constant 0 : i32
      %dma_wait3A_131 = tpu.memref_slice %arg3[%dma_wait3A_129, %dma_wait3A_130] : memref<100000x32xf32, #tpu.memory_space<hbm>> -> memref<100000x32xf32, #tpu.memory_space<hbm>>
      tpu.wait_indirect_dma semaphore(%arg8 : memref<!tpu.dma_semaphore, #tpu.memory_space<semaphore_mem>>) src(%dma_wait3A_131 : memref<100000x32xf32, #tpu.memory_space<hbm>>) dst(%dma_wait3A_125 : memref<128x32xf32, #tpu.memory_space<vmem>>)
      %dma_wait3A_132 = arith.constant 4 : i32
      %dma_wait3A_133 = arith.constant 512 : i32
      %dma_wait3A_134 = arith.constant 0 : i32
      %dma_wait3A_135 = tpu.memref_slice %arg6[%dma_wait3A_133, %dma_wait3A_134] : memref<1024x32xf32, #tpu.memory_space<vmem>> -> memref<128x32xf32, #tpu.memory_space<vmem>>
      %dma_wait3A_136 = arith.constant 0 : i32
      %dma_wait3A_137 = tpu.memref_slice %arg5[%dma_wait3A_132, %dma_wait3A_136] : memref<8x128xi32, #tpu.memory_space<vmem>> -> memref<1x128xi32, #tpu.memory_space<vmem>>
      %dma_wait3A_138 = tpu.memref_squeeze %dma_wait3A_137 : memref<1x128xi32, #tpu.memory_space<vmem>> -> memref<128xi32, #tpu.memory_space<vmem>>
      %dma_wait3A_139 = arith.constant 0 : i32
      %dma_wait3A_140 = arith.constant 0 : i32
      %dma_wait3A_141 = tpu.memref_slice %arg3[%dma_wait3A_139, %dma_wait3A_140] : memref<100000x32xf32, #tpu.memory_space<hbm>> -> memref<100000x32xf32, #tpu.memory_space<hbm>>
      tpu.wait_indirect_dma semaphore(%arg8 : memref<!tpu.dma_semaphore, #tpu.memory_space<semaphore_mem>>) src(%dma_wait3A_141 : memref<100000x32xf32, #tpu.memory_space<hbm>>) dst(%dma_wait3A_135 : memref<128x32xf32, #tpu.memory_space<vmem>>)
      %dma_wait3A_142 = arith.constant 5 : i32
      %dma_wait3A_143 = arith.constant 640 : i32
      %dma_wait3A_144 = arith.constant 0 : i32
      %dma_wait3A_145 = tpu.memref_slice %arg6[%dma_wait3A_143, %dma_wait3A_144] : memref<1024x32xf32, #tpu.memory_space<vmem>> -> memref<128x32xf32, #tpu.memory_space<vmem>>
      %dma_wait3A_146 = arith.constant 0 : i32
      %dma_wait3A_147 = tpu.memref_slice %arg5[%dma_wait3A_142, %dma_wait3A_146] : memref<8x128xi32, #tpu.memory_space<vmem>> -> memref<1x128xi32, #tpu.memory_space<vmem>>
      %dma_wait3A_148 = tpu.memref_squeeze %dma_wait3A_147 : memref<1x128xi32, #tpu.memory_space<vmem>> -> memref<128xi32, #tpu.memory_space<vmem>>
      %dma_wait3A_149 = arith.constant 0 : i32
      %dma_wait3A_150 = arith.constant 0 : i32
      %dma_wait3A_151 = tpu.memref_slice %arg3[%dma_wait3A_149, %dma_wait3A_150] : memref<100000x32xf32, #tpu.memory_space<hbm>> -> memref<100000x32xf32, #tpu.memory_space<hbm>>
      tpu.wait_indirect_dma semaphore(%arg8 : memref<!tpu.dma_semaphore, #tpu.memory_space<semaphore_mem>>) src(%dma_wait3A_151 : memref<100000x32xf32, #tpu.memory_space<hbm>>) dst(%dma_wait3A_145 : memref<128x32xf32, #tpu.memory_space<vmem>>)
      %dma_wait3A_152 = arith.constant 6 : i32
      %dma_wait3A_153 = arith.constant 768 : i32
      %dma_wait3A_154 = arith.constant 0 : i32
      %dma_wait3A_155 = tpu.memref_slice %arg6[%dma_wait3A_153, %dma_wait3A_154] : memref<1024x32xf32, #tpu.memory_space<vmem>> -> memref<128x32xf32, #tpu.memory_space<vmem>>
      %dma_wait3A_156 = arith.constant 0 : i32
      %dma_wait3A_157 = tpu.memref_slice %arg5[%dma_wait3A_152, %dma_wait3A_156] : memref<8x128xi32, #tpu.memory_space<vmem>> -> memref<1x128xi32, #tpu.memory_space<vmem>>
      %dma_wait3A_158 = tpu.memref_squeeze %dma_wait3A_157 : memref<1x128xi32, #tpu.memory_space<vmem>> -> memref<128xi32, #tpu.memory_space<vmem>>
      %dma_wait3A_159 = arith.constant 0 : i32
      %dma_wait3A_160 = arith.constant 0 : i32
      %dma_wait3A_161 = tpu.memref_slice %arg3[%dma_wait3A_159, %dma_wait3A_160] : memref<100000x32xf32, #tpu.memory_space<hbm>> -> memref<100000x32xf32, #tpu.memory_space<hbm>>
      tpu.wait_indirect_dma semaphore(%arg8 : memref<!tpu.dma_semaphore, #tpu.memory_space<semaphore_mem>>) src(%dma_wait3A_161 : memref<100000x32xf32, #tpu.memory_space<hbm>>) dst(%dma_wait3A_155 : memref<128x32xf32, #tpu.memory_space<vmem>>)
      %dma_wait3A_162 = arith.constant 7 : i32
      %dma_wait3A_163 = arith.constant 896 : i32
      %dma_wait3A_164 = arith.constant 0 : i32
      %dma_wait3A_165 = tpu.memref_slice %arg6[%dma_wait3A_163, %dma_wait3A_164] : memref<1024x32xf32, #tpu.memory_space<vmem>> -> memref<128x32xf32, #tpu.memory_space<vmem>>
      %dma_wait3A_166 = arith.constant 0 : i32
      %dma_wait3A_167 = tpu.memref_slice %arg5[%dma_wait3A_162, %dma_wait3A_166] : memref<8x128xi32, #tpu.memory_space<vmem>> -> memref<1x128xi32, #tpu.memory_space<vmem>>
      %dma_wait3A_168 = tpu.memref_squeeze %dma_wait3A_167 : memref<1x128xi32, #tpu.memory_space<vmem>> -> memref<128xi32, #tpu.memory_space<vmem>>
      %dma_wait3A_169 = arith.constant 0 : i32
      %dma_wait3A_170 = arith.constant 0 : i32
      %dma_wait3A_171 = tpu.memref_slice %arg3[%dma_wait3A_169, %dma_wait3A_170] : memref<100000x32xf32, #tpu.memory_space<hbm>> -> memref<100000x32xf32, #tpu.memory_space<hbm>>
      tpu.wait_indirect_dma semaphore(%arg8 : memref<!tpu.dma_semaphore, #tpu.memory_space<semaphore_mem>>) src(%dma_wait3A_171 : memref<100000x32xf32, #tpu.memory_space<hbm>>) dst(%dma_wait3A_165 : memref<128x32xf32, #tpu.memory_space<vmem>>)
      %scan3A_172 = arith.constant 0 : i32
      %scan3A_173 = arith.constant 0 : i32
      %scan3A_174 = arith.constant 64 : i32
      %scan3A_175 = arith.addi %scan3A_173, %scan3A_174 : i32
      %scan3A_176 = arith.constant 1 : i32
      scf.for %scan3A_1011 = %scan3A_173 to %scan3A_175 step %scan3A_176  : i32 {
        %mul3A_1012 = arith.constant 16 : i32
        %mul3A_1013 = arith.muli %scan3A_1011, %mul3A_1012 : i32
        %iota3A = tpu.iota {dimensions = array<i32: 0>} : vector<16xi32>
        %add3A_1014 = vector.broadcast %mul3A_1013 : i32 to vector<16xi32>
        %add3A_1015 = arith.addi %add3A_1014, %iota3A : vector<16xi32>
        %broadcast_in_dim3A = arith.constant 0 : i32
        %broadcast_in_dim3A_1016 = vector.broadcast %broadcast_in_dim3A : i32 to vector<16xi32>
        %gather3A = tpu.vector_load_idx %arg6[%add3A_1015, %broadcast_in_dim3A_1016] : memref<1024x32xf32, #tpu.memory_space<vmem>>[vector<16xi32>, vector<16xi32>], vector<16xf32>,
        %mul3A_1017 = arith.constant 16 : i32
        %mul3A_1018 = arith.muli %scan3A_1011, %mul3A_1017 : i32
        %swap3A = arith.constant 0 : i32
        %swap3A_1019 = arith.index_cast %swap3A : i32 to index
        %swap3A_1020 = arith.index_cast %mul3A_1018 : i32 to index
        %swap3A_1021 = tpu.vector_load %arg7[%swap3A_1019, %swap3A_1020] {strides = array<i32>} : memref<32x1024xf32, #tpu.memory_space<vmem>>, vector<16xf32>,
        tpu.vector_store %arg7[%swap3A_1019, %swap3A_1020], %gather3A {strides = array<i32>} : memref<32x1024xf32, #tpu.memory_space<vmem>>, vector<16xf32>,
        %broadcast_in_dim3A_1022 = arith.constant 1 : i32
        %broadcast_in_dim3A_1023 = vector.broadcast %broadcast_in_dim3A_1022 : i32 to vector<16xi32>
        %gather3A_1024 = tpu.vector_load_idx %arg6[%add3A_1015, %broadcast_in_dim3A_1023] : memref<1024x32xf32, #tpu.memory_space<vmem>>[vector<16xi32>, vector<16xi32>], vector<16xf32>,
        %mul3A_1025 = arith.constant 16 : i32
        %mul3A_1026 = arith.muli %scan3A_1011, %mul3A_1025 : i32
        %swap3A_1027 = arith.constant 1 : i32
        %swap3A_1028 = arith.index_cast %swap3A_1027 : i32 to index
        %swap3A_1029 = arith.index_cast %mul3A_1026 : i32 to index
        %swap3A_1030 = tpu.vector_load %arg7[%swap3A_1028, %swap3A_1029] {strides = array<i32>} : memref<32x1024xf32, #tpu.memory_space<vmem>>, vector<16xf32>,
        tpu.vector_store %arg7[%swap3A_1028, %swap3A_1029], %gather3A_1024 {strides = array<i32>} : memref<32x1024xf32, #tpu.memory_space<vmem>>, vector<16xf32>,
        %broadcast_in_dim3A_1031 = arith.constant 2 : i32
        %broadcast_in_dim3A_1032 = vector.broadcast %broadcast_in_dim3A_1031 : i32 to vector<16xi32>
        %gather3A_1033 = tpu.vector_load_idx %arg6[%add3A_1015, %broadcast_in_dim3A_1032] : memref<1024x32xf32, #tpu.memory_space<vmem>>[vector<16xi32>, vector<16xi32>], vector<16xf32>,
        %mul3A_1034 = arith.constant 16 : i32
        %mul3A_1035 = arith.muli %scan3A_1011, %mul3A_1034 : i32
        %swap3A_1036 = arith.constant 2 : i32
        %swap3A_1037 = arith.index_cast %swap3A_1036 : i32 to index
        %swap3A_1038 = arith.index_cast %mul3A_1035 : i32 to index
        %swap3A_1039 = tpu.vector_load %arg7[%swap3A_1037, %swap3A_1038] {strides = array<i32>} : memref<32x1024xf32, #tpu.memory_space<vmem>>, vector<16xf32>,
        tpu.vector_store %arg7[%swap3A_1037, %swap3A_1038], %gather3A_1033 {strides = array<i32>} : memref<32x1024xf32, #tpu.memory_space<vmem>>, vector<16xf32>,
        %broadcast_in_dim3A_1040 = arith.constant 3 : i32
        %broadcast_in_dim3A_1041 = vector.broadcast %broadcast_in_dim3A_1040 : i32 to vector<16xi32>
        %gather3A_1042 = tpu.vector_load_idx %arg6[%add3A_1015, %broadcast_in_dim3A_1041] : memref<1024x32xf32, #tpu.memory_space<vmem>>[vector<16xi32>, vector<16xi32>], vector<16xf32>,
        %mul3A_1043 = arith.constant 16 : i32
        %mul3A_1044 = arith.muli %scan3A_1011, %mul3A_1043 : i32
        %swap3A_1045 = arith.constant 3 : i32
        %swap3A_1046 = arith.index_cast %swap3A_1045 : i32 to index
        %swap3A_1047 = arith.index_cast %mul3A_1044 : i32 to index
        %swap3A_1048 = tpu.vector_load %arg7[%swap3A_1046, %swap3A_1047] {strides = array<i32>} : memref<32x1024xf32, #tpu.memory_space<vmem>>, vector<16xf32>,
        tpu.vector_store %arg7[%swap3A_1046, %swap3A_1047], %gather3A_1042 {strides = array<i32>} : memref<32x1024xf32, #tpu.memory_space<vmem>>, vector<16xf32>,
        %broadcast_in_dim3A_1049 = arith.constant 4 : i32
        %broadcast_in_dim3A_1050 = vector.broadcast %broadcast_in_dim3A_1049 : i32 to vector<16xi32>
        %gather3A_1051 = tpu.vector_load_idx %arg6[%add3A_1015, %broadcast_in_dim3A_1050] : memref<1024x32xf32, #tpu.memory_space<vmem>>[vector<16xi32>, vector<16xi32>], vector<16xf32>,
        %mul3A_1052 = arith.constant 16 : i32
        %mul3A_1053 = arith.muli %scan3A_1011, %mul3A_1052 : i32
        %swap3A_1054 = arith.constant 4 : i32
        %swap3A_1055 = arith.index_cast %swap3A_1054 : i32 to index
        %swap3A_1056 = arith.index_cast %mul3A_1053 : i32 to index
        %swap3A_1057 = tpu.vector_load %arg7[%swap3A_1055, %swap3A_1056] {strides = array<i32>} : memref<32x1024xf32, #tpu.memory_space<vmem>>, vector<16xf32>,
        tpu.vector_store %arg7[%swap3A_1055, %swap3A_1056], %gather3A_1051 {strides = array<i32>} : memref<32x1024xf32, #tpu.memory_space<vmem>>, vector<16xf32>,
        %broadcast_in_dim3A_1058 = arith.constant 5 : i32
        %broadcast_in_dim3A_1059 = vector.broadcast %broadcast_in_dim3A_1058 : i32 to vector<16xi32>
        %gather3A_1060 = tpu.vector_load_idx %arg6[%add3A_1015, %broadcast_in_dim3A_1059] : memref<1024x32xf32, #tpu.memory_space<vmem>>[vector<16xi32>, vector<16xi32>], vector<16xf32>,
        %mul3A_1061 = arith.constant 16 : i32
        %mul3A_1062 = arith.muli %scan3A_1011, %mul3A_1061 : i32
        %swap3A_1063 = arith.constant 5 : i32
        %swap3A_1064 = arith.index_cast %swap3A_1063 : i32 to index
        %swap3A_1065 = arith.index_cast %mul3A_1062 : i32 to index
        %swap3A_1066 = tpu.vector_load %arg7[%swap3A_1064, %swap3A_1065] {strides = array<i32>} : memref<32x1024xf32, #tpu.memory_space<vmem>>, vector<16xf32>,
        tpu.vector_store %arg7[%swap3A_1064, %swap3A_1065], %gather3A_1060 {strides = array<i32>} : memref<32x1024xf32, #tpu.memory_space<vmem>>, vector<16xf32>,
        %broadcast_in_dim3A_1067 = arith.constant 6 : i32
        %broadcast_in_dim3A_1068 = vector.broadcast %broadcast_in_dim3A_1067 : i32 to vector<16xi32>
        %gather3A_1069 = tpu.vector_load_idx %arg6[%add3A_1015, %broadcast_in_dim3A_1068] : memref<1024x32xf32, #tpu.memory_space<vmem>>[vector<16xi32>, vector<16xi32>], vector<16xf32>,
        %mul3A_1070 = arith.constant 16 : i32
        %mul3A_1071 = arith.muli %scan3A_1011, %mul3A_1070 : i32
        %swap3A_1072 = arith.constant 6 : i32
        %swap3A_1073 = arith.index_cast %swap3A_1072 : i32 to index
        %swap3A_1074 = arith.index_cast %mul3A_1071 : i32 to index
        %swap3A_1075 = tpu.vector_load %arg7[%swap3A_1073, %swap3A_1074] {strides = array<i32>} : memref<32x1024xf32, #tpu.memory_space<vmem>>, vector<16xf32>,
        tpu.vector_store %arg7[%swap3A_1073, %swap3A_1074], %gather3A_1069 {strides = array<i32>} : memref<32x1024xf32, #tpu.memory_space<vmem>>, vector<16xf32>,
        %broadcast_in_dim3A_1076 = arith.constant 7 : i32
        %broadcast_in_dim3A_1077 = vector.broadcast %broadcast_in_dim3A_1076 : i32 to vector<16xi32>
        %gather3A_1078 = tpu.vector_load_idx %arg6[%add3A_1015, %broadcast_in_dim3A_1077] : memref<1024x32xf32, #tpu.memory_space<vmem>>[vector<16xi32>, vector<16xi32>], vector<16xf32>,
        %mul3A_1079 = arith.constant 16 : i32
        %mul3A_1080 = arith.muli %scan3A_1011, %mul3A_1079 : i32
        %swap3A_1081 = arith.constant 7 : i32
        %swap3A_1082 = arith.index_cast %swap3A_1081 : i32 to index
        %swap3A_1083 = arith.index_cast %mul3A_1080 : i32 to index
        %swap3A_1084 = tpu.vector_load %arg7[%swap3A_1082, %swap3A_1083] {strides = array<i32>} : memref<32x1024xf32, #tpu.memory_space<vmem>>, vector<16xf32>,
        tpu.vector_store %arg7[%swap3A_1082, %swap3A_1083], %gather3A_1078 {strides = array<i32>} : memref<32x1024xf32, #tpu.memory_space<vmem>>, vector<16xf32>,
        %broadcast_in_dim3A_1085 = arith.constant 8 : i32
        %broadcast_in_dim3A_1086 = vector.broadcast %broadcast_in_dim3A_1085 : i32 to vector<16xi32>
        %gather3A_1087 = tpu.vector_load_idx %arg6[%add3A_1015, %broadcast_in_dim3A_1086] : memref<1024x32xf32, #tpu.memory_space<vmem>>[vector<16xi32>, vector<16xi32>], vector<16xf32>,
        %mul3A_1088 = arith.constant 16 : i32
        %mul3A_1089 = arith.muli %scan3A_1011, %mul3A_1088 : i32
        %swap3A_1090 = arith.constant 8 : i32
        %swap3A_1091 = arith.index_cast %swap3A_1090 : i32 to index
        %swap3A_1092 = arith.index_cast %mul3A_1089 : i32 to index
        %swap3A_1093 = tpu.vector_load %arg7[%swap3A_1091, %swap3A_1092] {strides = array<i32>} : memref<32x1024xf32, #tpu.memory_space<vmem>>, vector<16xf32>,
        tpu.vector_store %arg7[%swap3A_1091, %swap3A_1092], %gather3A_1087 {strides = array<i32>} : memref<32x1024xf32, #tpu.memory_space<vmem>>, vector<16xf32>,
        %broadcast_in_dim3A_1094 = arith.constant 9 : i32
        %broadcast_in_dim3A_1095 = vector.broadcast %broadcast_in_dim3A_1094 : i32 to vector<16xi32>
        %gather3A_1096 = tpu.vector_load_idx %arg6[%add3A_1015, %broadcast_in_dim3A_1095] : memref<1024x32xf32, #tpu.memory_space<vmem>>[vector<16xi32>, vector<16xi32>], vector<16xf32>,
        %mul3A_1097 = arith.constant 16 : i32
        %mul3A_1098 = arith.muli %scan3A_1011, %mul3A_1097 : i32
        %swap3A_1099 = arith.constant 9 : i32
        %swap3A_1100 = arith.index_cast %swap3A_1099 : i32 to index
        %swap3A_1101 = arith.index_cast %mul3A_1098 : i32 to index
        %swap3A_1102 = tpu.vector_load %arg7[%swap3A_1100, %swap3A_1101] {strides = array<i32>} : memref<32x1024xf32, #tpu.memory_space<vmem>>, vector<16xf32>,
        tpu.vector_store %arg7[%swap3A_1100, %swap3A_1101], %gather3A_1096 {strides = array<i32>} : memref<32x1024xf32, #tpu.memory_space<vmem>>, vector<16xf32>,
        %broadcast_in_dim3A_1103 = arith.constant 10 : i32
        %broadcast_in_dim3A_1104 = vector.broadcast %broadcast_in_dim3A_1103 : i32 to vector<16xi32>
        %gather3A_1105 = tpu.vector_load_idx %arg6[%add3A_1015, %broadcast_in_dim3A_1104] : memref<1024x32xf32, #tpu.memory_space<vmem>>[vector<16xi32>, vector<16xi32>], vector<16xf32>,
        %mul3A_1106 = arith.constant 16 : i32
        %mul3A_1107 = arith.muli %scan3A_1011, %mul3A_1106 : i32
        %swap3A_1108 = arith.constant 10 : i32
        %swap3A_1109 = arith.index_cast %swap3A_1108 : i32 to index
        %swap3A_1110 = arith.index_cast %mul3A_1107 : i32 to index
        %swap3A_1111 = tpu.vector_load %arg7[%swap3A_1109, %swap3A_1110] {strides = array<i32>} : memref<32x1024xf32, #tpu.memory_space<vmem>>, vector<16xf32>,
        tpu.vector_store %arg7[%swap3A_1109, %swap3A_1110], %gather3A_1105 {strides = array<i32>} : memref<32x1024xf32, #tpu.memory_space<vmem>>, vector<16xf32>,
        %broadcast_in_dim3A_1112 = arith.constant 11 : i32
        %broadcast_in_dim3A_1113 = vector.broadcast %broadcast_in_dim3A_1112 : i32 to vector<16xi32>
        %gather3A_1114 = tpu.vector_load_idx %arg6[%add3A_1015, %broadcast_in_dim3A_1113] : memref<1024x32xf32, #tpu.memory_space<vmem>>[vector<16xi32>, vector<16xi32>], vector<16xf32>,
        %mul3A_1115 = arith.constant 16 : i32
        %mul3A_1116 = arith.muli %scan3A_1011, %mul3A_1115 : i32
        %swap3A_1117 = arith.constant 11 : i32
        %swap3A_1118 = arith.index_cast %swap3A_1117 : i32 to index
        %swap3A_1119 = arith.index_cast %mul3A_1116 : i32 to index
        %swap3A_1120 = tpu.vector_load %arg7[%swap3A_1118, %swap3A_1119] {strides = array<i32>} : memref<32x1024xf32, #tpu.memory_space<vmem>>, vector<16xf32>,
        tpu.vector_store %arg7[%swap3A_1118, %swap3A_1119], %gather3A_1114 {strides = array<i32>} : memref<32x1024xf32, #tpu.memory_space<vmem>>, vector<16xf32>,
        %broadcast_in_dim3A_1121 = arith.constant 12 : i32
        %broadcast_in_dim3A_1122 = vector.broadcast %broadcast_in_dim3A_1121 : i32 to vector<16xi32>
        %gather3A_1123 = tpu.vector_load_idx %arg6[%add3A_1015, %broadcast_in_dim3A_1122] : memref<1024x32xf32, #tpu.memory_space<vmem>>[vector<16xi32>, vector<16xi32>], vector<16xf32>,
        %mul3A_1124 = arith.constant 16 : i32
        %mul3A_1125 = arith.muli %scan3A_1011, %mul3A_1124 : i32
        %swap3A_1126 = arith.constant 12 : i32
        %swap3A_1127 = arith.index_cast %swap3A_1126 : i32 to index
        %swap3A_1128 = arith.index_cast %mul3A_1125 : i32 to index
        %swap3A_1129 = tpu.vector_load %arg7[%swap3A_1127, %swap3A_1128] {strides = array<i32>} : memref<32x1024xf32, #tpu.memory_space<vmem>>, vector<16xf32>,
        tpu.vector_store %arg7[%swap3A_1127, %swap3A_1128], %gather3A_1123 {strides = array<i32>} : memref<32x1024xf32, #tpu.memory_space<vmem>>, vector<16xf32>,
        %broadcast_in_dim3A_1130 = arith.constant 13 : i32
        %broadcast_in_dim3A_1131 = vector.broadcast %broadcast_in_dim3A_1130 : i32 to vector<16xi32>
        %gather3A_1132 = tpu.vector_load_idx %arg6[%add3A_1015, %broadcast_in_dim3A_1131] : memref<1024x32xf32, #tpu.memory_space<vmem>>[vector<16xi32>, vector<16xi32>], vector<16xf32>,
        %mul3A_1133 = arith.constant 16 : i32
        %mul3A_1134 = arith.muli %scan3A_1011, %mul3A_1133 : i32
        %swap3A_1135 = arith.constant 13 : i32
        %swap3A_1136 = arith.index_cast %swap3A_1135 : i32 to index
        %swap3A_1137 = arith.index_cast %mul3A_1134 : i32 to index
        %swap3A_1138 = tpu.vector_load %arg7[%swap3A_1136, %swap3A_1137] {strides = array<i32>} : memref<32x1024xf32, #tpu.memory_space<vmem>>, vector<16xf32>,
        tpu.vector_store %arg7[%swap3A_1136, %swap3A_1137], %gather3A_1132 {strides = array<i32>} : memref<32x1024xf32, #tpu.memory_space<vmem>>, vector<16xf32>,
        %broadcast_in_dim3A_1139 = arith.constant 14 : i32
        %broadcast_in_dim3A_1140 = vector.broadcast %broadcast_in_dim3A_1139 : i32 to vector<16xi32>
        %gather3A_1141 = tpu.vector_load_idx %arg6[%add3A_1015, %broadcast_in_dim3A_1140] : memref<1024x32xf32, #tpu.memory_space<vmem>>[vector<16xi32>, vector<16xi32>], vector<16xf32>,
        %mul3A_1142 = arith.constant 16 : i32
        %mul3A_1143 = arith.muli %scan3A_1011, %mul3A_1142 : i32
        %swap3A_1144 = arith.constant 14 : i32
        %swap3A_1145 = arith.index_cast %swap3A_1144 : i32 to index
        %swap3A_1146 = arith.index_cast %mul3A_1143 : i32 to index
        %swap3A_1147 = tpu.vector_load %arg7[%swap3A_1145, %swap3A_1146] {strides = array<i32>} : memref<32x1024xf32, #tpu.memory_space<vmem>>, vector<16xf32>,
        tpu.vector_store %arg7[%swap3A_1145, %swap3A_1146], %gather3A_1141 {strides = array<i32>} : memref<32x1024xf32, #tpu.memory_space<vmem>>, vector<16xf32>,
        %broadcast_in_dim3A_1148 = arith.constant 15 : i32
        %broadcast_in_dim3A_1149 = vector.broadcast %broadcast_in_dim3A_1148 : i32 to vector<16xi32>
        %gather3A_1150 = tpu.vector_load_idx %arg6[%add3A_1015, %broadcast_in_dim3A_1149] : memref<1024x32xf32, #tpu.memory_space<vmem>>[vector<16xi32>, vector<16xi32>], vector<16xf32>,
        %mul3A_1151 = arith.constant 16 : i32
        %mul3A_1152 = arith.muli %scan3A_1011, %mul3A_1151 : i32
        %swap3A_1153 = arith.constant 15 : i32
        %swap3A_1154 = arith.index_cast %swap3A_1153 : i32 to index
        %swap3A_1155 = arith.index_cast %mul3A_1152 : i32 to index
        %swap3A_1156 = tpu.vector_load %arg7[%swap3A_1154, %swap3A_1155] {strides = array<i32>} : memref<32x1024xf32, #tpu.memory_space<vmem>>, vector<16xf32>,
        tpu.vector_store %arg7[%swap3A_1154, %swap3A_1155], %gather3A_1150 {strides = array<i32>} : memref<32x1024xf32, #tpu.memory_space<vmem>>, vector<16xf32>,
        %broadcast_in_dim3A_1157 = arith.constant 16 : i32
        %broadcast_in_dim3A_1158 = vector.broadcast %broadcast_in_dim3A_1157 : i32 to vector<16xi32>
        %gather3A_1159 = tpu.vector_load_idx %arg6[%add3A_1015, %broadcast_in_dim3A_1158] : memref<1024x32xf32, #tpu.memory_space<vmem>>[vector<16xi32>, vector<16xi32>], vector<16xf32>,
        %mul3A_1160 = arith.constant 16 : i32
        %mul3A_1161 = arith.muli %scan3A_1011, %mul3A_1160 : i32
        %swap3A_1162 = arith.constant 16 : i32
        %swap3A_1163 = arith.index_cast %swap3A_1162 : i32 to index
        %swap3A_1164 = arith.index_cast %mul3A_1161 : i32 to index
        %swap3A_1165 = tpu.vector_load %arg7[%swap3A_1163, %swap3A_1164] {strides = array<i32>} : memref<32x1024xf32, #tpu.memory_space<vmem>>, vector<16xf32>,
        tpu.vector_store %arg7[%swap3A_1163, %swap3A_1164], %gather3A_1159 {strides = array<i32>} : memref<32x1024xf32, #tpu.memory_space<vmem>>, vector<16xf32>,
        %broadcast_in_dim3A_1166 = arith.constant 17 : i32
        %broadcast_in_dim3A_1167 = vector.broadcast %broadcast_in_dim3A_1166 : i32 to vector<16xi32>
        %gather3A_1168 = tpu.vector_load_idx %arg6[%add3A_1015, %broadcast_in_dim3A_1167] : memref<1024x32xf32, #tpu.memory_space<vmem>>[vector<16xi32>, vector<16xi32>], vector<16xf32>,
        %mul3A_1169 = arith.constant 16 : i32
        %mul3A_1170 = arith.muli %scan3A_1011, %mul3A_1169 : i32
        %swap3A_1171 = arith.constant 17 : i32
        %swap3A_1172 = arith.index_cast %swap3A_1171 : i32 to index
        %swap3A_1173 = arith.index_cast %mul3A_1170 : i32 to index
        %swap3A_1174 = tpu.vector_load %arg7[%swap3A_1172, %swap3A_1173] {strides = array<i32>} : memref<32x1024xf32, #tpu.memory_space<vmem>>, vector<16xf32>,
        tpu.vector_store %arg7[%swap3A_1172, %swap3A_1173], %gather3A_1168 {strides = array<i32>} : memref<32x1024xf32, #tpu.memory_space<vmem>>, vector<16xf32>,
        %broadcast_in_dim3A_1175 = arith.constant 18 : i32
        %broadcast_in_dim3A_1176 = vector.broadcast %broadcast_in_dim3A_1175 : i32 to vector<16xi32>
        %gather3A_1177 = tpu.vector_load_idx %arg6[%add3A_1015, %broadcast_in_dim3A_1176] : memref<1024x32xf32, #tpu.memory_space<vmem>>[vector<16xi32>, vector<16xi32>], vector<16xf32>,
        %mul3A_1178 = arith.constant 16 : i32
        %mul3A_1179 = arith.muli %scan3A_1011, %mul3A_1178 : i32
        %swap3A_1180 = arith.constant 18 : i32
        %swap3A_1181 = arith.index_cast %swap3A_1180 : i32 to index
        %swap3A_1182 = arith.index_cast %mul3A_1179 : i32 to index
        %swap3A_1183 = tpu.vector_load %arg7[%swap3A_1181, %swap3A_1182] {strides = array<i32>} : memref<32x1024xf32, #tpu.memory_space<vmem>>, vector<16xf32>,
        tpu.vector_store %arg7[%swap3A_1181, %swap3A_1182], %gather3A_1177 {strides = array<i32>} : memref<32x1024xf32, #tpu.memory_space<vmem>>, vector<16xf32>,
        %broadcast_in_dim3A_1184 = arith.constant 19 : i32
        %broadcast_in_dim3A_1185 = vector.broadcast %broadcast_in_dim3A_1184 : i32 to vector<16xi32>
        %gather3A_1186 = tpu.vector_load_idx %arg6[%add3A_1015, %broadcast_in_dim3A_1185] : memref<1024x32xf32, #tpu.memory_space<vmem>>[vector<16xi32>, vector<16xi32>], vector<16xf32>,
        %mul3A_1187 = arith.constant 16 : i32
        %mul3A_1188 = arith.muli %scan3A_1011, %mul3A_1187 : i32
        %swap3A_1189 = arith.constant 19 : i32
        %swap3A_1190 = arith.index_cast %swap3A_1189 : i32 to index
        %swap3A_1191 = arith.index_cast %mul3A_1188 : i32 to index
        %swap3A_1192 = tpu.vector_load %arg7[%swap3A_1190, %swap3A_1191] {strides = array<i32>} : memref<32x1024xf32, #tpu.memory_space<vmem>>, vector<16xf32>,
        tpu.vector_store %arg7[%swap3A_1190, %swap3A_1191], %gather3A_1186 {strides = array<i32>} : memref<32x1024xf32, #tpu.memory_space<vmem>>, vector<16xf32>,
        %broadcast_in_dim3A_1193 = arith.constant 20 : i32
        %broadcast_in_dim3A_1194 = vector.broadcast %broadcast_in_dim3A_1193 : i32 to vector<16xi32>
        %gather3A_1195 = tpu.vector_load_idx %arg6[%add3A_1015, %broadcast_in_dim3A_1194] : memref<1024x32xf32, #tpu.memory_space<vmem>>[vector<16xi32>, vector<16xi32>], vector<16xf32>,
        %mul3A_1196 = arith.constant 16 : i32
        %mul3A_1197 = arith.muli %scan3A_1011, %mul3A_1196 : i32
        %swap3A_1198 = arith.constant 20 : i32
        %swap3A_1199 = arith.index_cast %swap3A_1198 : i32 to index
        %swap3A_1200 = arith.index_cast %mul3A_1197 : i32 to index
        %swap3A_1201 = tpu.vector_load %arg7[%swap3A_1199, %swap3A_1200] {strides = array<i32>} : memref<32x1024xf32, #tpu.memory_space<vmem>>, vector<16xf32>,
        tpu.vector_store %arg7[%swap3A_1199, %swap3A_1200], %gather3A_1195 {strides = array<i32>} : memref<32x1024xf32, #tpu.memory_space<vmem>>, vector<16xf32>,
        %broadcast_in_dim3A_1202 = arith.constant 21 : i32
        %broadcast_in_dim3A_1203 = vector.broadcast %broadcast_in_dim3A_1202 : i32 to vector<16xi32>
        %gather3A_1204 = tpu.vector_load_idx %arg6[%add3A_1015, %broadcast_in_dim3A_1203] : memref<1024x32xf32, #tpu.memory_space<vmem>>[vector<16xi32>, vector<16xi32>], vector<16xf32>,
        %mul3A_1205 = arith.constant 16 : i32
        %mul3A_1206 = arith.muli %scan3A_1011, %mul3A_1205 : i32
        %swap3A_1207 = arith.constant 21 : i32
        %swap3A_1208 = arith.index_cast %swap3A_1207 : i32 to index
        %swap3A_1209 = arith.index_cast %mul3A_1206 : i32 to index
        %swap3A_1210 = tpu.vector_load %arg7[%swap3A_1208, %swap3A_1209] {strides = array<i32>} : memref<32x1024xf32, #tpu.memory_space<vmem>>, vector<16xf32>,
        tpu.vector_store %arg7[%swap3A_1208, %swap3A_1209], %gather3A_1204 {strides = array<i32>} : memref<32x1024xf32, #tpu.memory_space<vmem>>, vector<16xf32>,
        %broadcast_in_dim3A_1211 = arith.constant 22 : i32
        %broadcast_in_dim3A_1212 = vector.broadcast %broadcast_in_dim3A_1211 : i32 to vector<16xi32>
        %gather3A_1213 = tpu.vector_load_idx %arg6[%add3A_1015, %broadcast_in_dim3A_1212] : memref<1024x32xf32, #tpu.memory_space<vmem>>[vector<16xi32>, vector<16xi32>], vector<16xf32>,
        %mul3A_1214 = arith.constant 16 : i32
        %mul3A_1215 = arith.muli %scan3A_1011, %mul3A_1214 : i32
        %swap3A_1216 = arith.constant 22 : i32
        %swap3A_1217 = arith.index_cast %swap3A_1216 : i32 to index
        %swap3A_1218 = arith.index_cast %mul3A_1215 : i32 to index
        %swap3A_1219 = tpu.vector_load %arg7[%swap3A_1217, %swap3A_1218] {strides = array<i32>} : memref<32x1024xf32, #tpu.memory_space<vmem>>, vector<16xf32>,
        tpu.vector_store %arg7[%swap3A_1217, %swap3A_1218], %gather3A_1213 {strides = array<i32>} : memref<32x1024xf32, #tpu.memory_space<vmem>>, vector<16xf32>,
        %broadcast_in_dim3A_1220 = arith.constant 23 : i32
        %broadcast_in_dim3A_1221 = vector.broadcast %broadcast_in_dim3A_1220 : i32 to vector<16xi32>
        %gather3A_1222 = tpu.vector_load_idx %arg6[%add3A_1015, %broadcast_in_dim3A_1221] : memref<1024x32xf32, #tpu.memory_space<vmem>>[vector<16xi32>, vector<16xi32>], vector<16xf32>,
        %mul3A_1223 = arith.constant 16 : i32
        %mul3A_1224 = arith.muli %scan3A_1011, %mul3A_1223 : i32
        %swap3A_1225 = arith.constant 23 : i32
        %swap3A_1226 = arith.index_cast %swap3A_1225 : i32 to index
        %swap3A_1227 = arith.index_cast %mul3A_1224 : i32 to index
        %swap3A_1228 = tpu.vector_load %arg7[%swap3A_1226, %swap3A_1227] {strides = array<i32>} : memref<32x1024xf32, #tpu.memory_space<vmem>>, vector<16xf32>,
        tpu.vector_store %arg7[%swap3A_1226, %swap3A_1227], %gather3A_1222 {strides = array<i32>} : memref<32x1024xf32, #tpu.memory_space<vmem>>, vector<16xf32>,
        %broadcast_in_dim3A_1229 = arith.constant 24 : i32
        %broadcast_in_dim3A_1230 = vector.broadcast %broadcast_in_dim3A_1229 : i32 to vector<16xi32>
        %gather3A_1231 = tpu.vector_load_idx %arg6[%add3A_1015, %broadcast_in_dim3A_1230] : memref<1024x32xf32, #tpu.memory_space<vmem>>[vector<16xi32>, vector<16xi32>], vector<16xf32>,
        %mul3A_1232 = arith.constant 16 : i32
        %mul3A_1233 = arith.muli %scan3A_1011, %mul3A_1232 : i32
        %swap3A_1234 = arith.constant 24 : i32
        %swap3A_1235 = arith.index_cast %swap3A_1234 : i32 to index
        %swap3A_1236 = arith.index_cast %mul3A_1233 : i32 to index
        %swap3A_1237 = tpu.vector_load %arg7[%swap3A_1235, %swap3A_1236] {strides = array<i32>} : memref<32x1024xf32, #tpu.memory_space<vmem>>, vector<16xf32>,
        tpu.vector_store %arg7[%swap3A_1235, %swap3A_1236], %gather3A_1231 {strides = array<i32>} : memref<32x1024xf32, #tpu.memory_space<vmem>>, vector<16xf32>,
        %broadcast_in_dim3A_1238 = arith.constant 25 : i32
        %broadcast_in_dim3A_1239 = vector.broadcast %broadcast_in_dim3A_1238 : i32 to vector<16xi32>
        %gather3A_1240 = tpu.vector_load_idx %arg6[%add3A_1015, %broadcast_in_dim3A_1239] : memref<1024x32xf32, #tpu.memory_space<vmem>>[vector<16xi32>, vector<16xi32>], vector<16xf32>,
        %mul3A_1241 = arith.constant 16 : i32
        %mul3A_1242 = arith.muli %scan3A_1011, %mul3A_1241 : i32
        %swap3A_1243 = arith.constant 25 : i32
        %swap3A_1244 = arith.index_cast %swap3A_1243 : i32 to index
        %swap3A_1245 = arith.index_cast %mul3A_1242 : i32 to index
        %swap3A_1246 = tpu.vector_load %arg7[%swap3A_1244, %swap3A_1245] {strides = array<i32>} : memref<32x1024xf32, #tpu.memory_space<vmem>>, vector<16xf32>,
        tpu.vector_store %arg7[%swap3A_1244, %swap3A_1245], %gather3A_1240 {strides = array<i32>} : memref<32x1024xf32, #tpu.memory_space<vmem>>, vector<16xf32>,
        %broadcast_in_dim3A_1247 = arith.constant 26 : i32
        %broadcast_in_dim3A_1248 = vector.broadcast %broadcast_in_dim3A_1247 : i32 to vector<16xi32>
        %gather3A_1249 = tpu.vector_load_idx %arg6[%add3A_1015, %broadcast_in_dim3A_1248] : memref<1024x32xf32, #tpu.memory_space<vmem>>[vector<16xi32>, vector<16xi32>], vector<16xf32>,
        %mul3A_1250 = arith.constant 16 : i32
        %mul3A_1251 = arith.muli %scan3A_1011, %mul3A_1250 : i32
        %swap3A_1252 = arith.constant 26 : i32
        %swap3A_1253 = arith.index_cast %swap3A_1252 : i32 to index
        %swap3A_1254 = arith.index_cast %mul3A_1251 : i32 to index
        %swap3A_1255 = tpu.vector_load %arg7[%swap3A_1253, %swap3A_1254] {strides = array<i32>} : memref<32x1024xf32, #tpu.memory_space<vmem>>, vector<16xf32>,
        tpu.vector_store %arg7[%swap3A_1253, %swap3A_1254], %gather3A_1249 {strides = array<i32>} : memref<32x1024xf32, #tpu.memory_space<vmem>>, vector<16xf32>,
        %broadcast_in_dim3A_1256 = arith.constant 27 : i32
        %broadcast_in_dim3A_1257 = vector.broadcast %broadcast_in_dim3A_1256 : i32 to vector<16xi32>
        %gather3A_1258 = tpu.vector_load_idx %arg6[%add3A_1015, %broadcast_in_dim3A_1257] : memref<1024x32xf32, #tpu.memory_space<vmem>>[vector<16xi32>, vector<16xi32>], vector<16xf32>,
        %mul3A_1259 = arith.constant 16 : i32
        %mul3A_1260 = arith.muli %scan3A_1011, %mul3A_1259 : i32
        %swap3A_1261 = arith.constant 27 : i32
        %swap3A_1262 = arith.index_cast %swap3A_1261 : i32 to index
        %swap3A_1263 = arith.index_cast %mul3A_1260 : i32 to index
        %swap3A_1264 = tpu.vector_load %arg7[%swap3A_1262, %swap3A_1263] {strides = array<i32>} : memref<32x1024xf32, #tpu.memory_space<vmem>>, vector<16xf32>,
        tpu.vector_store %arg7[%swap3A_1262, %swap3A_1263], %gather3A_1258 {strides = array<i32>} : memref<32x1024xf32, #tpu.memory_space<vmem>>, vector<16xf32>,
        %broadcast_in_dim3A_1265 = arith.constant 28 : i32
        %broadcast_in_dim3A_1266 = vector.broadcast %broadcast_in_dim3A_1265 : i32 to vector<16xi32>
        %gather3A_1267 = tpu.vector_load_idx %arg6[%add3A_1015, %broadcast_in_dim3A_1266] : memref<1024x32xf32, #tpu.memory_space<vmem>>[vector<16xi32>, vector<16xi32>], vector<16xf32>,
        %mul3A_1268 = arith.constant 16 : i32
        %mul3A_1269 = arith.muli %scan3A_1011, %mul3A_1268 : i32
        %swap3A_1270 = arith.constant 28 : i32
        %swap3A_1271 = arith.index_cast %swap3A_1270 : i32 to index
        %swap3A_1272 = arith.index_cast %mul3A_1269 : i32 to index
        %swap3A_1273 = tpu.vector_load %arg7[%swap3A_1271, %swap3A_1272] {strides = array<i32>} : memref<32x1024xf32, #tpu.memory_space<vmem>>, vector<16xf32>,
        tpu.vector_store %arg7[%swap3A_1271, %swap3A_1272], %gather3A_1267 {strides = array<i32>} : memref<32x1024xf32, #tpu.memory_space<vmem>>, vector<16xf32>,
        %broadcast_in_dim3A_1274 = arith.constant 29 : i32
        %broadcast_in_dim3A_1275 = vector.broadcast %broadcast_in_dim3A_1274 : i32 to vector<16xi32>
        %gather3A_1276 = tpu.vector_load_idx %arg6[%add3A_1015, %broadcast_in_dim3A_1275] : memref<1024x32xf32, #tpu.memory_space<vmem>>[vector<16xi32>, vector<16xi32>], vector<16xf32>,
        %mul3A_1277 = arith.constant 16 : i32
        %mul3A_1278 = arith.muli %scan3A_1011, %mul3A_1277 : i32
        %swap3A_1279 = arith.constant 29 : i32
        %swap3A_1280 = arith.index_cast %swap3A_1279 : i32 to index
        %swap3A_1281 = arith.index_cast %mul3A_1278 : i32 to index
        %swap3A_1282 = tpu.vector_load %arg7[%swap3A_1280, %swap3A_1281] {strides = array<i32>} : memref<32x1024xf32, #tpu.memory_space<vmem>>, vector<16xf32>,
        tpu.vector_store %arg7[%swap3A_1280, %swap3A_1281], %gather3A_1276 {strides = array<i32>} : memref<32x1024xf32, #tpu.memory_space<vmem>>, vector<16xf32>,
        %broadcast_in_dim3A_1283 = arith.constant 30 : i32
        %broadcast_in_dim3A_1284 = vector.broadcast %broadcast_in_dim3A_1283 : i32 to vector<16xi32>
        %gather3A_1285 = tpu.vector_load_idx %arg6[%add3A_1015, %broadcast_in_dim3A_1284] : memref<1024x32xf32, #tpu.memory_space<vmem>>[vector<16xi32>, vector<16xi32>], vector<16xf32>,
        %mul3A_1286 = arith.constant 16 : i32
        %mul3A_1287 = arith.muli %scan3A_1011, %mul3A_1286 : i32
        %swap3A_1288 = arith.constant 30 : i32
        %swap3A_1289 = arith.index_cast %swap3A_1288 : i32 to index
        %swap3A_1290 = arith.index_cast %mul3A_1287 : i32 to index
        %swap3A_1291 = tpu.vector_load %arg7[%swap3A_1289, %swap3A_1290] {strides = array<i32>} : memref<32x1024xf32, #tpu.memory_space<vmem>>, vector<16xf32>,
        tpu.vector_store %arg7[%swap3A_1289, %swap3A_1290], %gather3A_1285 {strides = array<i32>} : memref<32x1024xf32, #tpu.memory_space<vmem>>, vector<16xf32>,
        %broadcast_in_dim3A_1292 = arith.constant 31 : i32
        %broadcast_in_dim3A_1293 = vector.broadcast %broadcast_in_dim3A_1292 : i32 to vector<16xi32>
        %gather3A_1294 = tpu.vector_load_idx %arg6[%add3A_1015, %broadcast_in_dim3A_1293] : memref<1024x32xf32, #tpu.memory_space<vmem>>[vector<16xi32>, vector<16xi32>], vector<16xf32>,
        %mul3A_1295 = arith.constant 16 : i32
        %mul3A_1296 = arith.muli %scan3A_1011, %mul3A_1295 : i32
        %swap3A_1297 = arith.constant 31 : i32
        %swap3A_1298 = arith.index_cast %swap3A_1297 : i32 to index
        %swap3A_1299 = arith.index_cast %mul3A_1296 : i32 to index
        %swap3A_1300 = tpu.vector_load %arg7[%swap3A_1298, %swap3A_1299] {strides = array<i32>} : memref<32x1024xf32, #tpu.memory_space<vmem>>, vector<16xf32>,
        tpu.vector_store %arg7[%swap3A_1298, %swap3A_1299], %gather3A_1294 {strides = array<i32>} : memref<32x1024xf32, #tpu.memory_space<vmem>>, vector<16xf32>,
      }
      %scan3A_177 = arith.constant 64 : i32
      %shift_right_arithmetic3A = arith.constant 18 : i32
      %shift_right_arithmetic3A_178 = arith.shrsi %mul3A_11, %shift_right_arithmetic3A : i32
      %and3A = arith.constant 262143 : i32
      %and3A_179 = arith.andi %mul3A_11, %and3A : i32
      %mul3A_180 = arith.constant 32 : i32
      %mul3A_181 = arith.muli %shift_right_arithmetic3A_178, %mul3A_180 : i32
      %add3A_182 = arith.constant 0 : i32
      %add3A_183 = arith.addi %mul3A_181, %add3A_182 : i32
      %mul3A_184 = arith.constant 262144 : i32
      %mul3A_185 = arith.muli %add3A_183, %mul3A_184 : i32
      %add3A_186 = arith.addi %mul3A_185, %and3A_179 : i32
      %multiple_of3A = tpu.assume_multiple %add3A_186, 8 : i32
      %dma_start3A_187 = arith.constant 0 : i32
      %dma_start3A_188 = arith.constant 0 : i32
      %dma_start3A_189 = tpu.memref_slice %arg7[%dma_start3A_187, %dma_start3A_188] : memref<32x1024xf32, #tpu.memory_space<vmem>> -> memref<1x1024xf32, #tpu.memory_space<vmem>>
      %dma_start3A_190 = tpu.memref_squeeze %dma_start3A_189 : memref<1x1024xf32, #tpu.memory_space<vmem>> -> memref<1024xf32, #tpu.memory_space<vmem>>
      %dma_start3A_191 = tpu.memref_slice %arg4[%multiple_of3A] : memref<33554432xf32, #tpu.memory_space<hbm>> -> memref<1024xf32, #tpu.memory_space<hbm>>
      %dma_start3A_192 = tpu.memref_slice %arg4[%multiple_of3A] : memref<33554432xf32, #tpu.memory_space<hbm>> -> memref<1024xf32, #tpu.memory_space<hbm>>
      %dma_start3A_193 = arith.constant 0 : i32
      %dma_start3A_194 = tpu.memref_slice %arg7[%dma_start3A_187, %dma_start3A_193] : memref<32x1024xf32, #tpu.memory_space<vmem>> -> memref<1x1024xf32, #tpu.memory_space<vmem>>
      %dma_start3A_195 = tpu.memref_squeeze %dma_start3A_194 : memref<1x1024xf32, #tpu.memory_space<vmem>> -> memref<1024xf32, #tpu.memory_space<vmem>>
      tpu.enqueue_dma source(%dma_start3A_195 : memref<1024xf32, #tpu.memory_space<vmem>>) target(%dma_start3A_192 : memref<1024xf32, #tpu.memory_space<hbm>>) target_semaphore(%arg9 : memref<!tpu.dma_semaphore, #tpu.memory_space<semaphore_mem>>)
      %mul3A_196 = arith.constant 32 : i32
      %mul3A_197 = arith.muli %shift_right_arithmetic3A_178, %mul3A_196 : i32
      %add3A_198 = arith.constant 1 : i32
      %add3A_199 = arith.addi %mul3A_197, %add3A_198 : i32
      %mul3A_200 = arith.constant 262144 : i32
      %mul3A_201 = arith.muli %add3A_199, %mul3A_200 : i32
      %add3A_202 = arith.addi %mul3A_201, %and3A_179 : i32
      %multiple_of3A_203 = tpu.assume_multiple %add3A_202, 8 : i32
      %dma_start3A_204 = arith.constant 1 : i32
      %dma_start3A_205 = arith.constant 0 : i32
      %dma_start3A_206 = tpu.memref_slice %arg7[%dma_start3A_204, %dma_start3A_205] : memref<32x1024xf32, #tpu.memory_space<vmem>> -> memref<1x1024xf32, #tpu.memory_space<vmem>>
      %dma_start3A_207 = tpu.memref_squeeze %dma_start3A_206 : memref<1x1024xf32, #tpu.memory_space<vmem>> -> memref<1024xf32, #tpu.memory_space<vmem>>
      %dma_start3A_208 = tpu.memref_slice %arg4[%multiple_of3A_203] : memref<33554432xf32, #tpu.memory_space<hbm>> -> memref<1024xf32, #tpu.memory_space<hbm>>
      %dma_start3A_209 = tpu.memref_slice %arg4[%multiple_of3A_203] : memref<33554432xf32, #tpu.memory_space<hbm>> -> memref<1024xf32, #tpu.memory_space<hbm>>
      %dma_start3A_210 = arith.constant 0 : i32
      %dma_start3A_211 = tpu.memref_slice %arg7[%dma_start3A_204, %dma_start3A_210] : memref<32x1024xf32, #tpu.memory_space<vmem>> -> memref<1x1024xf32, #tpu.memory_space<vmem>>
      %dma_start3A_212 = tpu.memref_squeeze %dma_start3A_211 : memref<1x1024xf32, #tpu.memory_space<vmem>> -> memref<1024xf32, #tpu.memory_space<vmem>>
      tpu.enqueue_dma source(%dma_start3A_212 : memref<1024xf32, #tpu.memory_space<vmem>>) target(%dma_start3A_209 : memref<1024xf32, #tpu.memory_space<hbm>>) target_semaphore(%arg9 : memref<!tpu.dma_semaphore, #tpu.memory_space<semaphore_mem>>)
      %mul3A_213 = arith.constant 32 : i32
      %mul3A_214 = arith.muli %shift_right_arithmetic3A_178, %mul3A_213 : i32
      %add3A_215 = arith.constant 2 : i32
      %add3A_216 = arith.addi %mul3A_214, %add3A_215 : i32
      %mul3A_217 = arith.constant 262144 : i32
      %mul3A_218 = arith.muli %add3A_216, %mul3A_217 : i32
      %add3A_219 = arith.addi %mul3A_218, %and3A_179 : i32
      %multiple_of3A_220 = tpu.assume_multiple %add3A_219, 8 : i32
      %dma_start3A_221 = arith.constant 2 : i32
      %dma_start3A_222 = arith.constant 0 : i32
      %dma_start3A_223 = tpu.memref_slice %arg7[%dma_start3A_221, %dma_start3A_222] : memref<32x1024xf32, #tpu.memory_space<vmem>> -> memref<1x1024xf32, #tpu.memory_space<vmem>>
      %dma_start3A_224 = tpu.memref_squeeze %dma_start3A_223 : memref<1x1024xf32, #tpu.memory_space<vmem>> -> memref<1024xf32, #tpu.memory_space<vmem>>
      %dma_start3A_225 = tpu.memref_slice %arg4[%multiple_of3A_220] : memref<33554432xf32, #tpu.memory_space<hbm>> -> memref<1024xf32, #tpu.memory_space<hbm>>
      %dma_start3A_226 = tpu.memref_slice %arg4[%multiple_of3A_220] : memref<33554432xf32, #tpu.memory_space<hbm>> -> memref<1024xf32, #tpu.memory_space<hbm>>
      %dma_start3A_227 = arith.constant 0 : i32
      %dma_start3A_228 = tpu.memref_slice %arg7[%dma_start3A_221, %dma_start3A_227] : memref<32x1024xf32, #tpu.memory_space<vmem>> -> memref<1x1024xf32, #tpu.memory_space<vmem>>
      %dma_start3A_229 = tpu.memref_squeeze %dma_start3A_228 : memref<1x1024xf32, #tpu.memory_space<vmem>> -> memref<1024xf32, #tpu.memory_space<vmem>>
      tpu.enqueue_dma source(%dma_start3A_229 : memref<1024xf32, #tpu.memory_space<vmem>>) target(%dma_start3A_226 : memref<1024xf32, #tpu.memory_space<hbm>>) target_semaphore(%arg9 : memref<!tpu.dma_semaphore, #tpu.memory_space<semaphore_mem>>)
      %mul3A_230 = arith.constant 32 : i32
      %mul3A_231 = arith.muli %shift_right_arithmetic3A_178, %mul3A_230 : i32
      %add3A_232 = arith.constant 3 : i32
      %add3A_233 = arith.addi %mul3A_231, %add3A_232 : i32
      %mul3A_234 = arith.constant 262144 : i32
      %mul3A_235 = arith.muli %add3A_233, %mul3A_234 : i32
      %add3A_236 = arith.addi %mul3A_235, %and3A_179 : i32
      %multiple_of3A_237 = tpu.assume_multiple %add3A_236, 8 : i32
      %dma_start3A_238 = arith.constant 3 : i32
      %dma_start3A_239 = arith.constant 0 : i32
      %dma_start3A_240 = tpu.memref_slice %arg7[%dma_start3A_238, %dma_start3A_239] : memref<32x1024xf32, #tpu.memory_space<vmem>> -> memref<1x1024xf32, #tpu.memory_space<vmem>>
      %dma_start3A_241 = tpu.memref_squeeze %dma_start3A_240 : memref<1x1024xf32, #tpu.memory_space<vmem>> -> memref<1024xf32, #tpu.memory_space<vmem>>
      %dma_start3A_242 = tpu.memref_slice %arg4[%multiple_of3A_237] : memref<33554432xf32, #tpu.memory_space<hbm>> -> memref<1024xf32, #tpu.memory_space<hbm>>
      %dma_start3A_243 = tpu.memref_slice %arg4[%multiple_of3A_237] : memref<33554432xf32, #tpu.memory_space<hbm>> -> memref<1024xf32, #tpu.memory_space<hbm>>
      %dma_start3A_244 = arith.constant 0 : i32
      %dma_start3A_245 = tpu.memref_slice %arg7[%dma_start3A_238, %dma_start3A_244] : memref<32x1024xf32, #tpu.memory_space<vmem>> -> memref<1x1024xf32, #tpu.memory_space<vmem>>
      %dma_start3A_246 = tpu.memref_squeeze %dma_start3A_245 : memref<1x1024xf32, #tpu.memory_space<vmem>> -> memref<1024xf32, #tpu.memory_space<vmem>>
      tpu.enqueue_dma source(%dma_start3A_246 : memref<1024xf32, #tpu.memory_space<vmem>>) target(%dma_start3A_243 : memref<1024xf32, #tpu.memory_space<hbm>>) target_semaphore(%arg9 : memref<!tpu.dma_semaphore, #tpu.memory_space<semaphore_mem>>)
      %mul3A_247 = arith.constant 32 : i32
      %mul3A_248 = arith.muli %shift_right_arithmetic3A_178, %mul3A_247 : i32
      %add3A_249 = arith.constant 4 : i32
      %add3A_250 = arith.addi %mul3A_248, %add3A_249 : i32
      %mul3A_251 = arith.constant 262144 : i32
      %mul3A_252 = arith.muli %add3A_250, %mul3A_251 : i32
      %add3A_253 = arith.addi %mul3A_252, %and3A_179 : i32
      %multiple_of3A_254 = tpu.assume_multiple %add3A_253, 8 : i32
      %dma_start3A_255 = arith.constant 4 : i32
      %dma_start3A_256 = arith.constant 0 : i32
      %dma_start3A_257 = tpu.memref_slice %arg7[%dma_start3A_255, %dma_start3A_256] : memref<32x1024xf32, #tpu.memory_space<vmem>> -> memref<1x1024xf32, #tpu.memory_space<vmem>>
      %dma_start3A_258 = tpu.memref_squeeze %dma_start3A_257 : memref<1x1024xf32, #tpu.memory_space<vmem>> -> memref<1024xf32, #tpu.memory_space<vmem>>
      %dma_start3A_259 = tpu.memref_slice %arg4[%multiple_of3A_254] : memref<33554432xf32, #tpu.memory_space<hbm>> -> memref<1024xf32, #tpu.memory_space<hbm>>
      %dma_start3A_260 = tpu.memref_slice %arg4[%multiple_of3A_254] : memref<33554432xf32, #tpu.memory_space<hbm>> -> memref<1024xf32, #tpu.memory_space<hbm>>
      %dma_start3A_261 = arith.constant 0 : i32
      %dma_start3A_262 = tpu.memref_slice %arg7[%dma_start3A_255, %dma_start3A_261] : memref<32x1024xf32, #tpu.memory_space<vmem>> -> memref<1x1024xf32, #tpu.memory_space<vmem>>
      %dma_start3A_263 = tpu.memref_squeeze %dma_start3A_262 : memref<1x1024xf32, #tpu.memory_space<vmem>> -> memref<1024xf32, #tpu.memory_space<vmem>>
      tpu.enqueue_dma source(%dma_start3A_263 : memref<1024xf32, #tpu.memory_space<vmem>>) target(%dma_start3A_260 : memref<1024xf32, #tpu.memory_space<hbm>>) target_semaphore(%arg9 : memref<!tpu.dma_semaphore, #tpu.memory_space<semaphore_mem>>)
      %mul3A_264 = arith.constant 32 : i32
      %mul3A_265 = arith.muli %shift_right_arithmetic3A_178, %mul3A_264 : i32
      %add3A_266 = arith.constant 5 : i32
      %add3A_267 = arith.addi %mul3A_265, %add3A_266 : i32
      %mul3A_268 = arith.constant 262144 : i32
      %mul3A_269 = arith.muli %add3A_267, %mul3A_268 : i32
      %add3A_270 = arith.addi %mul3A_269, %and3A_179 : i32
      %multiple_of3A_271 = tpu.assume_multiple %add3A_270, 8 : i32
      %dma_start3A_272 = arith.constant 5 : i32
      %dma_start3A_273 = arith.constant 0 : i32
      %dma_start3A_274 = tpu.memref_slice %arg7[%dma_start3A_272, %dma_start3A_273] : memref<32x1024xf32, #tpu.memory_space<vmem>> -> memref<1x1024xf32, #tpu.memory_space<vmem>>
      %dma_start3A_275 = tpu.memref_squeeze %dma_start3A_274 : memref<1x1024xf32, #tpu.memory_space<vmem>> -> memref<1024xf32, #tpu.memory_space<vmem>>
      %dma_start3A_276 = tpu.memref_slice %arg4[%multiple_of3A_271] : memref<33554432xf32, #tpu.memory_space<hbm>> -> memref<1024xf32, #tpu.memory_space<hbm>>
      %dma_start3A_277 = tpu.memref_slice %arg4[%multiple_of3A_271] : memref<33554432xf32, #tpu.memory_space<hbm>> -> memref<1024xf32, #tpu.memory_space<hbm>>
      %dma_start3A_278 = arith.constant 0 : i32
      %dma_start3A_279 = tpu.memref_slice %arg7[%dma_start3A_272, %dma_start3A_278] : memref<32x1024xf32, #tpu.memory_space<vmem>> -> memref<1x1024xf32, #tpu.memory_space<vmem>>
      %dma_start3A_280 = tpu.memref_squeeze %dma_start3A_279 : memref<1x1024xf32, #tpu.memory_space<vmem>> -> memref<1024xf32, #tpu.memory_space<vmem>>
      tpu.enqueue_dma source(%dma_start3A_280 : memref<1024xf32, #tpu.memory_space<vmem>>) target(%dma_start3A_277 : memref<1024xf32, #tpu.memory_space<hbm>>) target_semaphore(%arg9 : memref<!tpu.dma_semaphore, #tpu.memory_space<semaphore_mem>>)
      %mul3A_281 = arith.constant 32 : i32
      %mul3A_282 = arith.muli %shift_right_arithmetic3A_178, %mul3A_281 : i32
      %add3A_283 = arith.constant 6 : i32
      %add3A_284 = arith.addi %mul3A_282, %add3A_283 : i32
      %mul3A_285 = arith.constant 262144 : i32
      %mul3A_286 = arith.muli %add3A_284, %mul3A_285 : i32
      %add3A_287 = arith.addi %mul3A_286, %and3A_179 : i32
      %multiple_of3A_288 = tpu.assume_multiple %add3A_287, 8 : i32
      %dma_start3A_289 = arith.constant 6 : i32
      %dma_start3A_290 = arith.constant 0 : i32
      %dma_start3A_291 = tpu.memref_slice %arg7[%dma_start3A_289, %dma_start3A_290] : memref<32x1024xf32, #tpu.memory_space<vmem>> -> memref<1x1024xf32, #tpu.memory_space<vmem>>
      %dma_start3A_292 = tpu.memref_squeeze %dma_start3A_291 : memref<1x1024xf32, #tpu.memory_space<vmem>> -> memref<1024xf32, #tpu.memory_space<vmem>>
      %dma_start3A_293 = tpu.memref_slice %arg4[%multiple_of3A_288] : memref<33554432xf32, #tpu.memory_space<hbm>> -> memref<1024xf32, #tpu.memory_space<hbm>>
      %dma_start3A_294 = tpu.memref_slice %arg4[%multiple_of3A_288] : memref<33554432xf32, #tpu.memory_space<hbm>> -> memref<1024xf32, #tpu.memory_space<hbm>>
      %dma_start3A_295 = arith.constant 0 : i32
      %dma_start3A_296 = tpu.memref_slice %arg7[%dma_start3A_289, %dma_start3A_295] : memref<32x1024xf32, #tpu.memory_space<vmem>> -> memref<1x1024xf32, #tpu.memory_space<vmem>>
      %dma_start3A_297 = tpu.memref_squeeze %dma_start3A_296 : memref<1x1024xf32, #tpu.memory_space<vmem>> -> memref<1024xf32, #tpu.memory_space<vmem>>
      tpu.enqueue_dma source(%dma_start3A_297 : memref<1024xf32, #tpu.memory_space<vmem>>) target(%dma_start3A_294 : memref<1024xf32, #tpu.memory_space<hbm>>) target_semaphore(%arg9 : memref<!tpu.dma_semaphore, #tpu.memory_space<semaphore_mem>>)
      %mul3A_298 = arith.constant 32 : i32
      %mul3A_299 = arith.muli %shift_right_arithmetic3A_178, %mul3A_298 : i32
      %add3A_300 = arith.constant 7 : i32
      %add3A_301 = arith.addi %mul3A_299, %add3A_300 : i32
      %mul3A_302 = arith.constant 262144 : i32
      %mul3A_303 = arith.muli %add3A_301, %mul3A_302 : i32
      %add3A_304 = arith.addi %mul3A_303, %and3A_179 : i32
      %multiple_of3A_305 = tpu.assume_multiple %add3A_304, 8 : i32
      %dma_start3A_306 = arith.constant 7 : i32
      %dma_start3A_307 = arith.constant 0 : i32
      %dma_start3A_308 = tpu.memref_slice %arg7[%dma_start3A_306, %dma_start3A_307] : memref<32x1024xf32, #tpu.memory_space<vmem>> -> memref<1x1024xf32, #tpu.memory_space<vmem>>
      %dma_start3A_309 = tpu.memref_squeeze %dma_start3A_308 : memref<1x1024xf32, #tpu.memory_space<vmem>> -> memref<1024xf32, #tpu.memory_space<vmem>>
      %dma_start3A_310 = tpu.memref_slice %arg4[%multiple_of3A_305] : memref<33554432xf32, #tpu.memory_space<hbm>> -> memref<1024xf32, #tpu.memory_space<hbm>>
      %dma_start3A_311 = tpu.memref_slice %arg4[%multiple_of3A_305] : memref<33554432xf32, #tpu.memory_space<hbm>> -> memref<1024xf32, #tpu.memory_space<hbm>>
      %dma_start3A_312 = arith.constant 0 : i32
      %dma_start3A_313 = tpu.memref_slice %arg7[%dma_start3A_306, %dma_start3A_312] : memref<32x1024xf32, #tpu.memory_space<vmem>> -> memref<1x1024xf32, #tpu.memory_space<vmem>>
      %dma_start3A_314 = tpu.memref_squeeze %dma_start3A_313 : memref<1x1024xf32, #tpu.memory_space<vmem>> -> memref<1024xf32, #tpu.memory_space<vmem>>
      tpu.enqueue_dma source(%dma_start3A_314 : memref<1024xf32, #tpu.memory_space<vmem>>) target(%dma_start3A_311 : memref<1024xf32, #tpu.memory_space<hbm>>) target_semaphore(%arg9 : memref<!tpu.dma_semaphore, #tpu.memory_space<semaphore_mem>>)
      %mul3A_315 = arith.constant 32 : i32
      %mul3A_316 = arith.muli %shift_right_arithmetic3A_178, %mul3A_315 : i32
      %add3A_317 = arith.constant 8 : i32
      %add3A_318 = arith.addi %mul3A_316, %add3A_317 : i32
      %mul3A_319 = arith.constant 262144 : i32
      %mul3A_320 = arith.muli %add3A_318, %mul3A_319 : i32
      %add3A_321 = arith.addi %mul3A_320, %and3A_179 : i32
      %multiple_of3A_322 = tpu.assume_multiple %add3A_321, 8 : i32
      %dma_start3A_323 = arith.constant 8 : i32
      %dma_start3A_324 = arith.constant 0 : i32
      %dma_start3A_325 = tpu.memref_slice %arg7[%dma_start3A_323, %dma_start3A_324] : memref<32x1024xf32, #tpu.memory_space<vmem>> -> memref<1x1024xf32, #tpu.memory_space<vmem>>
      %dma_start3A_326 = tpu.memref_squeeze %dma_start3A_325 : memref<1x1024xf32, #tpu.memory_space<vmem>> -> memref<1024xf32, #tpu.memory_space<vmem>>
      %dma_start3A_327 = tpu.memref_slice %arg4[%multiple_of3A_322] : memref<33554432xf32, #tpu.memory_space<hbm>> -> memref<1024xf32, #tpu.memory_space<hbm>>
      %dma_start3A_328 = tpu.memref_slice %arg4[%multiple_of3A_322] : memref<33554432xf32, #tpu.memory_space<hbm>> -> memref<1024xf32, #tpu.memory_space<hbm>>
      %dma_start3A_329 = arith.constant 0 : i32
      %dma_start3A_330 = tpu.memref_slice %arg7[%dma_start3A_323, %dma_start3A_329] : memref<32x1024xf32, #tpu.memory_space<vmem>> -> memref<1x1024xf32, #tpu.memory_space<vmem>>
      %dma_start3A_331 = tpu.memref_squeeze %dma_start3A_330 : memref<1x1024xf32, #tpu.memory_space<vmem>> -> memref<1024xf32, #tpu.memory_space<vmem>>
      tpu.enqueue_dma source(%dma_start3A_331 : memref<1024xf32, #tpu.memory_space<vmem>>) target(%dma_start3A_328 : memref<1024xf32, #tpu.memory_space<hbm>>) target_semaphore(%arg9 : memref<!tpu.dma_semaphore, #tpu.memory_space<semaphore_mem>>)
      %mul3A_332 = arith.constant 32 : i32
      %mul3A_333 = arith.muli %shift_right_arithmetic3A_178, %mul3A_332 : i32
      %add3A_334 = arith.constant 9 : i32
      %add3A_335 = arith.addi %mul3A_333, %add3A_334 : i32
      %mul3A_336 = arith.constant 262144 : i32
      %mul3A_337 = arith.muli %add3A_335, %mul3A_336 : i32
      %add3A_338 = arith.addi %mul3A_337, %and3A_179 : i32
      %multiple_of3A_339 = tpu.assume_multiple %add3A_338, 8 : i32
      %dma_start3A_340 = arith.constant 9 : i32
      %dma_start3A_341 = arith.constant 0 : i32
      %dma_start3A_342 = tpu.memref_slice %arg7[%dma_start3A_340, %dma_start3A_341] : memref<32x1024xf32, #tpu.memory_space<vmem>> -> memref<1x1024xf32, #tpu.memory_space<vmem>>
      %dma_start3A_343 = tpu.memref_squeeze %dma_start3A_342 : memref<1x1024xf32, #tpu.memory_space<vmem>> -> memref<1024xf32, #tpu.memory_space<vmem>>
      %dma_start3A_344 = tpu.memref_slice %arg4[%multiple_of3A_339] : memref<33554432xf32, #tpu.memory_space<hbm>> -> memref<1024xf32, #tpu.memory_space<hbm>>
      %dma_start3A_345 = tpu.memref_slice %arg4[%multiple_of3A_339] : memref<33554432xf32, #tpu.memory_space<hbm>> -> memref<1024xf32, #tpu.memory_space<hbm>>
      %dma_start3A_346 = arith.constant 0 : i32
      %dma_start3A_347 = tpu.memref_slice %arg7[%dma_start3A_340, %dma_start3A_346] : memref<32x1024xf32, #tpu.memory_space<vmem>> -> memref<1x1024xf32, #tpu.memory_space<vmem>>
      %dma_start3A_348 = tpu.memref_squeeze %dma_start3A_347 : memref<1x1024xf32, #tpu.memory_space<vmem>> -> memref<1024xf32, #tpu.memory_space<vmem>>
      tpu.enqueue_dma source(%dma_start3A_348 : memref<1024xf32, #tpu.memory_space<vmem>>) target(%dma_start3A_345 : memref<1024xf32, #tpu.memory_space<hbm>>) target_semaphore(%arg9 : memref<!tpu.dma_semaphore, #tpu.memory_space<semaphore_mem>>)
      %mul3A_349 = arith.constant 32 : i32
      %mul3A_350 = arith.muli %shift_right_arithmetic3A_178, %mul3A_349 : i32
      %add3A_351 = arith.constant 10 : i32
      %add3A_352 = arith.addi %mul3A_350, %add3A_351 : i32
      %mul3A_353 = arith.constant 262144 : i32
      %mul3A_354 = arith.muli %add3A_352, %mul3A_353 : i32
      %add3A_355 = arith.addi %mul3A_354, %and3A_179 : i32
      %multiple_of3A_356 = tpu.assume_multiple %add3A_355, 8 : i32
      %dma_start3A_357 = arith.constant 10 : i32
      %dma_start3A_358 = arith.constant 0 : i32
      %dma_start3A_359 = tpu.memref_slice %arg7[%dma_start3A_357, %dma_start3A_358] : memref<32x1024xf32, #tpu.memory_space<vmem>> -> memref<1x1024xf32, #tpu.memory_space<vmem>>
      %dma_start3A_360 = tpu.memref_squeeze %dma_start3A_359 : memref<1x1024xf32, #tpu.memory_space<vmem>> -> memref<1024xf32, #tpu.memory_space<vmem>>
      %dma_start3A_361 = tpu.memref_slice %arg4[%multiple_of3A_356] : memref<33554432xf32, #tpu.memory_space<hbm>> -> memref<1024xf32, #tpu.memory_space<hbm>>
      %dma_start3A_362 = tpu.memref_slice %arg4[%multiple_of3A_356] : memref<33554432xf32, #tpu.memory_space<hbm>> -> memref<1024xf32, #tpu.memory_space<hbm>>
      %dma_start3A_363 = arith.constant 0 : i32
      %dma_start3A_364 = tpu.memref_slice %arg7[%dma_start3A_357, %dma_start3A_363] : memref<32x1024xf32, #tpu.memory_space<vmem>> -> memref<1x1024xf32, #tpu.memory_space<vmem>>
      %dma_start3A_365 = tpu.memref_squeeze %dma_start3A_364 : memref<1x1024xf32, #tpu.memory_space<vmem>> -> memref<1024xf32, #tpu.memory_space<vmem>>
      tpu.enqueue_dma source(%dma_start3A_365 : memref<1024xf32, #tpu.memory_space<vmem>>) target(%dma_start3A_362 : memref<1024xf32, #tpu.memory_space<hbm>>) target_semaphore(%arg9 : memref<!tpu.dma_semaphore, #tpu.memory_space<semaphore_mem>>)
      %mul3A_366 = arith.constant 32 : i32
      %mul3A_367 = arith.muli %shift_right_arithmetic3A_178, %mul3A_366 : i32
      %add3A_368 = arith.constant 11 : i32
      %add3A_369 = arith.addi %mul3A_367, %add3A_368 : i32
      %mul3A_370 = arith.constant 262144 : i32
      %mul3A_371 = arith.muli %add3A_369, %mul3A_370 : i32
      %add3A_372 = arith.addi %mul3A_371, %and3A_179 : i32
      %multiple_of3A_373 = tpu.assume_multiple %add3A_372, 8 : i32
      %dma_start3A_374 = arith.constant 11 : i32
      %dma_start3A_375 = arith.constant 0 : i32
      %dma_start3A_376 = tpu.memref_slice %arg7[%dma_start3A_374, %dma_start3A_375] : memref<32x1024xf32, #tpu.memory_space<vmem>> -> memref<1x1024xf32, #tpu.memory_space<vmem>>
      %dma_start3A_377 = tpu.memref_squeeze %dma_start3A_376 : memref<1x1024xf32, #tpu.memory_space<vmem>> -> memref<1024xf32, #tpu.memory_space<vmem>>
      %dma_start3A_378 = tpu.memref_slice %arg4[%multiple_of3A_373] : memref<33554432xf32, #tpu.memory_space<hbm>> -> memref<1024xf32, #tpu.memory_space<hbm>>
      %dma_start3A_379 = tpu.memref_slice %arg4[%multiple_of3A_373] : memref<33554432xf32, #tpu.memory_space<hbm>> -> memref<1024xf32, #tpu.memory_space<hbm>>
      %dma_start3A_380 = arith.constant 0 : i32
      %dma_start3A_381 = tpu.memref_slice %arg7[%dma_start3A_374, %dma_start3A_380] : memref<32x1024xf32, #tpu.memory_space<vmem>> -> memref<1x1024xf32, #tpu.memory_space<vmem>>
      %dma_start3A_382 = tpu.memref_squeeze %dma_start3A_381 : memref<1x1024xf32, #tpu.memory_space<vmem>> -> memref<1024xf32, #tpu.memory_space<vmem>>
      tpu.enqueue_dma source(%dma_start3A_382 : memref<1024xf32, #tpu.memory_space<vmem>>) target(%dma_start3A_379 : memref<1024xf32, #tpu.memory_space<hbm>>) target_semaphore(%arg9 : memref<!tpu.dma_semaphore, #tpu.memory_space<semaphore_mem>>)
      %mul3A_383 = arith.constant 32 : i32
      %mul3A_384 = arith.muli %shift_right_arithmetic3A_178, %mul3A_383 : i32
      %add3A_385 = arith.constant 12 : i32
      %add3A_386 = arith.addi %mul3A_384, %add3A_385 : i32
      %mul3A_387 = arith.constant 262144 : i32
      %mul3A_388 = arith.muli %add3A_386, %mul3A_387 : i32
      %add3A_389 = arith.addi %mul3A_388, %and3A_179 : i32
      %multiple_of3A_390 = tpu.assume_multiple %add3A_389, 8 : i32
      %dma_start3A_391 = arith.constant 12 : i32
      %dma_start3A_392 = arith.constant 0 : i32
      %dma_start3A_393 = tpu.memref_slice %arg7[%dma_start3A_391, %dma_start3A_392] : memref<32x1024xf32, #tpu.memory_space<vmem>> -> memref<1x1024xf32, #tpu.memory_space<vmem>>
      %dma_start3A_394 = tpu.memref_squeeze %dma_start3A_393 : memref<1x1024xf32, #tpu.memory_space<vmem>> -> memref<1024xf32, #tpu.memory_space<vmem>>
      %dma_start3A_395 = tpu.memref_slice %arg4[%multiple_of3A_390] : memref<33554432xf32, #tpu.memory_space<hbm>> -> memref<1024xf32, #tpu.memory_space<hbm>>
      %dma_start3A_396 = tpu.memref_slice %arg4[%multiple_of3A_390] : memref<33554432xf32, #tpu.memory_space<hbm>> -> memref<1024xf32, #tpu.memory_space<hbm>>
      %dma_start3A_397 = arith.constant 0 : i32
      %dma_start3A_398 = tpu.memref_slice %arg7[%dma_start3A_391, %dma_start3A_397] : memref<32x1024xf32, #tpu.memory_space<vmem>> -> memref<1x1024xf32, #tpu.memory_space<vmem>>
      %dma_start3A_399 = tpu.memref_squeeze %dma_start3A_398 : memref<1x1024xf32, #tpu.memory_space<vmem>> -> memref<1024xf32, #tpu.memory_space<vmem>>
      tpu.enqueue_dma source(%dma_start3A_399 : memref<1024xf32, #tpu.memory_space<vmem>>) target(%dma_start3A_396 : memref<1024xf32, #tpu.memory_space<hbm>>) target_semaphore(%arg9 : memref<!tpu.dma_semaphore, #tpu.memory_space<semaphore_mem>>)
      %mul3A_400 = arith.constant 32 : i32
      %mul3A_401 = arith.muli %shift_right_arithmetic3A_178, %mul3A_400 : i32
      %add3A_402 = arith.constant 13 : i32
      %add3A_403 = arith.addi %mul3A_401, %add3A_402 : i32
      %mul3A_404 = arith.constant 262144 : i32
      %mul3A_405 = arith.muli %add3A_403, %mul3A_404 : i32
      %add3A_406 = arith.addi %mul3A_405, %and3A_179 : i32
      %multiple_of3A_407 = tpu.assume_multiple %add3A_406, 8 : i32
      %dma_start3A_408 = arith.constant 13 : i32
      %dma_start3A_409 = arith.constant 0 : i32
      %dma_start3A_410 = tpu.memref_slice %arg7[%dma_start3A_408, %dma_start3A_409] : memref<32x1024xf32, #tpu.memory_space<vmem>> -> memref<1x1024xf32, #tpu.memory_space<vmem>>
      %dma_start3A_411 = tpu.memref_squeeze %dma_start3A_410 : memref<1x1024xf32, #tpu.memory_space<vmem>> -> memref<1024xf32, #tpu.memory_space<vmem>>
      %dma_start3A_412 = tpu.memref_slice %arg4[%multiple_of3A_407] : memref<33554432xf32, #tpu.memory_space<hbm>> -> memref<1024xf32, #tpu.memory_space<hbm>>
      %dma_start3A_413 = tpu.memref_slice %arg4[%multiple_of3A_407] : memref<33554432xf32, #tpu.memory_space<hbm>> -> memref<1024xf32, #tpu.memory_space<hbm>>
      %dma_start3A_414 = arith.constant 0 : i32
      %dma_start3A_415 = tpu.memref_slice %arg7[%dma_start3A_408, %dma_start3A_414] : memref<32x1024xf32, #tpu.memory_space<vmem>> -> memref<1x1024xf32, #tpu.memory_space<vmem>>
      %dma_start3A_416 = tpu.memref_squeeze %dma_start3A_415 : memref<1x1024xf32, #tpu.memory_space<vmem>> -> memref<1024xf32, #tpu.memory_space<vmem>>
      tpu.enqueue_dma source(%dma_start3A_416 : memref<1024xf32, #tpu.memory_space<vmem>>) target(%dma_start3A_413 : memref<1024xf32, #tpu.memory_space<hbm>>) target_semaphore(%arg9 : memref<!tpu.dma_semaphore, #tpu.memory_space<semaphore_mem>>)
      %mul3A_417 = arith.constant 32 : i32
      %mul3A_418 = arith.muli %shift_right_arithmetic3A_178, %mul3A_417 : i32
      %add3A_419 = arith.constant 14 : i32
      %add3A_420 = arith.addi %mul3A_418, %add3A_419 : i32
      %mul3A_421 = arith.constant 262144 : i32
      %mul3A_422 = arith.muli %add3A_420, %mul3A_421 : i32
      %add3A_423 = arith.addi %mul3A_422, %and3A_179 : i32
      %multiple_of3A_424 = tpu.assume_multiple %add3A_423, 8 : i32
      %dma_start3A_425 = arith.constant 14 : i32
      %dma_start3A_426 = arith.constant 0 : i32
      %dma_start3A_427 = tpu.memref_slice %arg7[%dma_start3A_425, %dma_start3A_426] : memref<32x1024xf32, #tpu.memory_space<vmem>> -> memref<1x1024xf32, #tpu.memory_space<vmem>>
      %dma_start3A_428 = tpu.memref_squeeze %dma_start3A_427 : memref<1x1024xf32, #tpu.memory_space<vmem>> -> memref<1024xf32, #tpu.memory_space<vmem>>
      %dma_start3A_429 = tpu.memref_slice %arg4[%multiple_of3A_424] : memref<33554432xf32, #tpu.memory_space<hbm>> -> memref<1024xf32, #tpu.memory_space<hbm>>
      %dma_start3A_430 = tpu.memref_slice %arg4[%multiple_of3A_424] : memref<33554432xf32, #tpu.memory_space<hbm>> -> memref<1024xf32, #tpu.memory_space<hbm>>
      %dma_start3A_431 = arith.constant 0 : i32
      %dma_start3A_432 = tpu.memref_slice %arg7[%dma_start3A_425, %dma_start3A_431] : memref<32x1024xf32, #tpu.memory_space<vmem>> -> memref<1x1024xf32, #tpu.memory_space<vmem>>
      %dma_start3A_433 = tpu.memref_squeeze %dma_start3A_432 : memref<1x1024xf32, #tpu.memory_space<vmem>> -> memref<1024xf32, #tpu.memory_space<vmem>>
      tpu.enqueue_dma source(%dma_start3A_433 : memref<1024xf32, #tpu.memory_space<vmem>>) target(%dma_start3A_430 : memref<1024xf32, #tpu.memory_space<hbm>>) target_semaphore(%arg9 : memref<!tpu.dma_semaphore, #tpu.memory_space<semaphore_mem>>)
      %mul3A_434 = arith.constant 32 : i32
      %mul3A_435 = arith.muli %shift_right_arithmetic3A_178, %mul3A_434 : i32
      %add3A_436 = arith.constant 15 : i32
      %add3A_437 = arith.addi %mul3A_435, %add3A_436 : i32
      %mul3A_438 = arith.constant 262144 : i32
      %mul3A_439 = arith.muli %add3A_437, %mul3A_438 : i32
      %add3A_440 = arith.addi %mul3A_439, %and3A_179 : i32
      %multiple_of3A_441 = tpu.assume_multiple %add3A_440, 8 : i32
      %dma_start3A_442 = arith.constant 15 : i32
      %dma_start3A_443 = arith.constant 0 : i32
      %dma_start3A_444 = tpu.memref_slice %arg7[%dma_start3A_442, %dma_start3A_443] : memref<32x1024xf32, #tpu.memory_space<vmem>> -> memref<1x1024xf32, #tpu.memory_space<vmem>>
      %dma_start3A_445 = tpu.memref_squeeze %dma_start3A_444 : memref<1x1024xf32, #tpu.memory_space<vmem>> -> memref<1024xf32, #tpu.memory_space<vmem>>
      %dma_start3A_446 = tpu.memref_slice %arg4[%multiple_of3A_441] : memref<33554432xf32, #tpu.memory_space<hbm>> -> memref<1024xf32, #tpu.memory_space<hbm>>
      %dma_start3A_447 = tpu.memref_slice %arg4[%multiple_of3A_441] : memref<33554432xf32, #tpu.memory_space<hbm>> -> memref<1024xf32, #tpu.memory_space<hbm>>
      %dma_start3A_448 = arith.constant 0 : i32
      %dma_start3A_449 = tpu.memref_slice %arg7[%dma_start3A_442, %dma_start3A_448] : memref<32x1024xf32, #tpu.memory_space<vmem>> -> memref<1x1024xf32, #tpu.memory_space<vmem>>
      %dma_start3A_450 = tpu.memref_squeeze %dma_start3A_449 : memref<1x1024xf32, #tpu.memory_space<vmem>> -> memref<1024xf32, #tpu.memory_space<vmem>>
      tpu.enqueue_dma source(%dma_start3A_450 : memref<1024xf32, #tpu.memory_space<vmem>>) target(%dma_start3A_447 : memref<1024xf32, #tpu.memory_space<hbm>>) target_semaphore(%arg9 : memref<!tpu.dma_semaphore, #tpu.memory_space<semaphore_mem>>)
      %mul3A_451 = arith.constant 32 : i32
      %mul3A_452 = arith.muli %shift_right_arithmetic3A_178, %mul3A_451 : i32
      %add3A_453 = arith.constant 16 : i32
      %add3A_454 = arith.addi %mul3A_452, %add3A_453 : i32
      %mul3A_455 = arith.constant 262144 : i32
      %mul3A_456 = arith.muli %add3A_454, %mul3A_455 : i32
      %add3A_457 = arith.addi %mul3A_456, %and3A_179 : i32
      %multiple_of3A_458 = tpu.assume_multiple %add3A_457, 8 : i32
      %dma_start3A_459 = arith.constant 16 : i32
      %dma_start3A_460 = arith.constant 0 : i32
      %dma_start3A_461 = tpu.memref_slice %arg7[%dma_start3A_459, %dma_start3A_460] : memref<32x1024xf32, #tpu.memory_space<vmem>> -> memref<1x1024xf32, #tpu.memory_space<vmem>>
      %dma_start3A_462 = tpu.memref_squeeze %dma_start3A_461 : memref<1x1024xf32, #tpu.memory_space<vmem>> -> memref<1024xf32, #tpu.memory_space<vmem>>
      %dma_start3A_463 = tpu.memref_slice %arg4[%multiple_of3A_458] : memref<33554432xf32, #tpu.memory_space<hbm>> -> memref<1024xf32, #tpu.memory_space<hbm>>
      %dma_start3A_464 = tpu.memref_slice %arg4[%multiple_of3A_458] : memref<33554432xf32, #tpu.memory_space<hbm>> -> memref<1024xf32, #tpu.memory_space<hbm>>
      %dma_start3A_465 = arith.constant 0 : i32
      %dma_start3A_466 = tpu.memref_slice %arg7[%dma_start3A_459, %dma_start3A_465] : memref<32x1024xf32, #tpu.memory_space<vmem>> -> memref<1x1024xf32, #tpu.memory_space<vmem>>
      %dma_start3A_467 = tpu.memref_squeeze %dma_start3A_466 : memref<1x1024xf32, #tpu.memory_space<vmem>> -> memref<1024xf32, #tpu.memory_space<vmem>>
      tpu.enqueue_dma source(%dma_start3A_467 : memref<1024xf32, #tpu.memory_space<vmem>>) target(%dma_start3A_464 : memref<1024xf32, #tpu.memory_space<hbm>>) target_semaphore(%arg9 : memref<!tpu.dma_semaphore, #tpu.memory_space<semaphore_mem>>)
      %mul3A_468 = arith.constant 32 : i32
      %mul3A_469 = arith.muli %shift_right_arithmetic3A_178, %mul3A_468 : i32
      %add3A_470 = arith.constant 17 : i32
      %add3A_471 = arith.addi %mul3A_469, %add3A_470 : i32
      %mul3A_472 = arith.constant 262144 : i32
      %mul3A_473 = arith.muli %add3A_471, %mul3A_472 : i32
      %add3A_474 = arith.addi %mul3A_473, %and3A_179 : i32
      %multiple_of3A_475 = tpu.assume_multiple %add3A_474, 8 : i32
      %dma_start3A_476 = arith.constant 17 : i32
      %dma_start3A_477 = arith.constant 0 : i32
      %dma_start3A_478 = tpu.memref_slice %arg7[%dma_start3A_476, %dma_start3A_477] : memref<32x1024xf32, #tpu.memory_space<vmem>> -> memref<1x1024xf32, #tpu.memory_space<vmem>>
      %dma_start3A_479 = tpu.memref_squeeze %dma_start3A_478 : memref<1x1024xf32, #tpu.memory_space<vmem>> -> memref<1024xf32, #tpu.memory_space<vmem>>
      %dma_start3A_480 = tpu.memref_slice %arg4[%multiple_of3A_475] : memref<33554432xf32, #tpu.memory_space<hbm>> -> memref<1024xf32, #tpu.memory_space<hbm>>
      %dma_start3A_481 = tpu.memref_slice %arg4[%multiple_of3A_475] : memref<33554432xf32, #tpu.memory_space<hbm>> -> memref<1024xf32, #tpu.memory_space<hbm>>
      %dma_start3A_482 = arith.constant 0 : i32
      %dma_start3A_483 = tpu.memref_slice %arg7[%dma_start3A_476, %dma_start3A_482] : memref<32x1024xf32, #tpu.memory_space<vmem>> -> memref<1x1024xf32, #tpu.memory_space<vmem>>
      %dma_start3A_484 = tpu.memref_squeeze %dma_start3A_483 : memref<1x1024xf32, #tpu.memory_space<vmem>> -> memref<1024xf32, #tpu.memory_space<vmem>>
      tpu.enqueue_dma source(%dma_start3A_484 : memref<1024xf32, #tpu.memory_space<vmem>>) target(%dma_start3A_481 : memref<1024xf32, #tpu.memory_space<hbm>>) target_semaphore(%arg9 : memref<!tpu.dma_semaphore, #tpu.memory_space<semaphore_mem>>)
      %mul3A_485 = arith.constant 32 : i32
      %mul3A_486 = arith.muli %shift_right_arithmetic3A_178, %mul3A_485 : i32
      %add3A_487 = arith.constant 18 : i32
      %add3A_488 = arith.addi %mul3A_486, %add3A_487 : i32
      %mul3A_489 = arith.constant 262144 : i32
      %mul3A_490 = arith.muli %add3A_488, %mul3A_489 : i32
      %add3A_491 = arith.addi %mul3A_490, %and3A_179 : i32
      %multiple_of3A_492 = tpu.assume_multiple %add3A_491, 8 : i32
      %dma_start3A_493 = arith.constant 18 : i32
      %dma_start3A_494 = arith.constant 0 : i32
      %dma_start3A_495 = tpu.memref_slice %arg7[%dma_start3A_493, %dma_start3A_494] : memref<32x1024xf32, #tpu.memory_space<vmem>> -> memref<1x1024xf32, #tpu.memory_space<vmem>>
      %dma_start3A_496 = tpu.memref_squeeze %dma_start3A_495 : memref<1x1024xf32, #tpu.memory_space<vmem>> -> memref<1024xf32, #tpu.memory_space<vmem>>
      %dma_start3A_497 = tpu.memref_slice %arg4[%multiple_of3A_492] : memref<33554432xf32, #tpu.memory_space<hbm>> -> memref<1024xf32, #tpu.memory_space<hbm>>
      %dma_start3A_498 = tpu.memref_slice %arg4[%multiple_of3A_492] : memref<33554432xf32, #tpu.memory_space<hbm>> -> memref<1024xf32, #tpu.memory_space<hbm>>
      %dma_start3A_499 = arith.constant 0 : i32
      %dma_start3A_500 = tpu.memref_slice %arg7[%dma_start3A_493, %dma_start3A_499] : memref<32x1024xf32, #tpu.memory_space<vmem>> -> memref<1x1024xf32, #tpu.memory_space<vmem>>
      %dma_start3A_501 = tpu.memref_squeeze %dma_start3A_500 : memref<1x1024xf32, #tpu.memory_space<vmem>> -> memref<1024xf32, #tpu.memory_space<vmem>>
      tpu.enqueue_dma source(%dma_start3A_501 : memref<1024xf32, #tpu.memory_space<vmem>>) target(%dma_start3A_498 : memref<1024xf32, #tpu.memory_space<hbm>>) target_semaphore(%arg9 : memref<!tpu.dma_semaphore, #tpu.memory_space<semaphore_mem>>)
      %mul3A_502 = arith.constant 32 : i32
      %mul3A_503 = arith.muli %shift_right_arithmetic3A_178, %mul3A_502 : i32
      %add3A_504 = arith.constant 19 : i32
      %add3A_505 = arith.addi %mul3A_503, %add3A_504 : i32
      %mul3A_506 = arith.constant 262144 : i32
      %mul3A_507 = arith.muli %add3A_505, %mul3A_506 : i32
      %add3A_508 = arith.addi %mul3A_507, %and3A_179 : i32
      %multiple_of3A_509 = tpu.assume_multiple %add3A_508, 8 : i32
      %dma_start3A_510 = arith.constant 19 : i32
      %dma_start3A_511 = arith.constant 0 : i32
      %dma_start3A_512 = tpu.memref_slice %arg7[%dma_start3A_510, %dma_start3A_511] : memref<32x1024xf32, #tpu.memory_space<vmem>> -> memref<1x1024xf32, #tpu.memory_space<vmem>>
      %dma_start3A_513 = tpu.memref_squeeze %dma_start3A_512 : memref<1x1024xf32, #tpu.memory_space<vmem>> -> memref<1024xf32, #tpu.memory_space<vmem>>
      %dma_start3A_514 = tpu.memref_slice %arg4[%multiple_of3A_509] : memref<33554432xf32, #tpu.memory_space<hbm>> -> memref<1024xf32, #tpu.memory_space<hbm>>
      %dma_start3A_515 = tpu.memref_slice %arg4[%multiple_of3A_509] : memref<33554432xf32, #tpu.memory_space<hbm>> -> memref<1024xf32, #tpu.memory_space<hbm>>
      %dma_start3A_516 = arith.constant 0 : i32
      %dma_start3A_517 = tpu.memref_slice %arg7[%dma_start3A_510, %dma_start3A_516] : memref<32x1024xf32, #tpu.memory_space<vmem>> -> memref<1x1024xf32, #tpu.memory_space<vmem>>
      %dma_start3A_518 = tpu.memref_squeeze %dma_start3A_517 : memref<1x1024xf32, #tpu.memory_space<vmem>> -> memref<1024xf32, #tpu.memory_space<vmem>>
      tpu.enqueue_dma source(%dma_start3A_518 : memref<1024xf32, #tpu.memory_space<vmem>>) target(%dma_start3A_515 : memref<1024xf32, #tpu.memory_space<hbm>>) target_semaphore(%arg9 : memref<!tpu.dma_semaphore, #tpu.memory_space<semaphore_mem>>)
      %mul3A_519 = arith.constant 32 : i32
      %mul3A_520 = arith.muli %shift_right_arithmetic3A_178, %mul3A_519 : i32
      %add3A_521 = arith.constant 20 : i32
      %add3A_522 = arith.addi %mul3A_520, %add3A_521 : i32
      %mul3A_523 = arith.constant 262144 : i32
      %mul3A_524 = arith.muli %add3A_522, %mul3A_523 : i32
      %add3A_525 = arith.addi %mul3A_524, %and3A_179 : i32
      %multiple_of3A_526 = tpu.assume_multiple %add3A_525, 8 : i32
      %dma_start3A_527 = arith.constant 20 : i32
      %dma_start3A_528 = arith.constant 0 : i32
      %dma_start3A_529 = tpu.memref_slice %arg7[%dma_start3A_527, %dma_start3A_528] : memref<32x1024xf32, #tpu.memory_space<vmem>> -> memref<1x1024xf32, #tpu.memory_space<vmem>>
      %dma_start3A_530 = tpu.memref_squeeze %dma_start3A_529 : memref<1x1024xf32, #tpu.memory_space<vmem>> -> memref<1024xf32, #tpu.memory_space<vmem>>
      %dma_start3A_531 = tpu.memref_slice %arg4[%multiple_of3A_526] : memref<33554432xf32, #tpu.memory_space<hbm>> -> memref<1024xf32, #tpu.memory_space<hbm>>
      %dma_start3A_532 = tpu.memref_slice %arg4[%multiple_of3A_526] : memref<33554432xf32, #tpu.memory_space<hbm>> -> memref<1024xf32, #tpu.memory_space<hbm>>
      %dma_start3A_533 = arith.constant 0 : i32
      %dma_start3A_534 = tpu.memref_slice %arg7[%dma_start3A_527, %dma_start3A_533] : memref<32x1024xf32, #tpu.memory_space<vmem>> -> memref<1x1024xf32, #tpu.memory_space<vmem>>
      %dma_start3A_535 = tpu.memref_squeeze %dma_start3A_534 : memref<1x1024xf32, #tpu.memory_space<vmem>> -> memref<1024xf32, #tpu.memory_space<vmem>>
      tpu.enqueue_dma source(%dma_start3A_535 : memref<1024xf32, #tpu.memory_space<vmem>>) target(%dma_start3A_532 : memref<1024xf32, #tpu.memory_space<hbm>>) target_semaphore(%arg9 : memref<!tpu.dma_semaphore, #tpu.memory_space<semaphore_mem>>)
      %mul3A_536 = arith.constant 32 : i32
      %mul3A_537 = arith.muli %shift_right_arithmetic3A_178, %mul3A_536 : i32
      %add3A_538 = arith.constant 21 : i32
      %add3A_539 = arith.addi %mul3A_537, %add3A_538 : i32
      %mul3A_540 = arith.constant 262144 : i32
      %mul3A_541 = arith.muli %add3A_539, %mul3A_540 : i32
      %add3A_542 = arith.addi %mul3A_541, %and3A_179 : i32
      %multiple_of3A_543 = tpu.assume_multiple %add3A_542, 8 : i32
      %dma_start3A_544 = arith.constant 21 : i32
      %dma_start3A_545 = arith.constant 0 : i32
      %dma_start3A_546 = tpu.memref_slice %arg7[%dma_start3A_544, %dma_start3A_545] : memref<32x1024xf32, #tpu.memory_space<vmem>> -> memref<1x1024xf32, #tpu.memory_space<vmem>>
      %dma_start3A_547 = tpu.memref_squeeze %dma_start3A_546 : memref<1x1024xf32, #tpu.memory_space<vmem>> -> memref<1024xf32, #tpu.memory_space<vmem>>
      %dma_start3A_548 = tpu.memref_slice %arg4[%multiple_of3A_543] : memref<33554432xf32, #tpu.memory_space<hbm>> -> memref<1024xf32, #tpu.memory_space<hbm>>
      %dma_start3A_549 = tpu.memref_slice %arg4[%multiple_of3A_543] : memref<33554432xf32, #tpu.memory_space<hbm>> -> memref<1024xf32, #tpu.memory_space<hbm>>
      %dma_start3A_550 = arith.constant 0 : i32
      %dma_start3A_551 = tpu.memref_slice %arg7[%dma_start3A_544, %dma_start3A_550] : memref<32x1024xf32, #tpu.memory_space<vmem>> -> memref<1x1024xf32, #tpu.memory_space<vmem>>
      %dma_start3A_552 = tpu.memref_squeeze %dma_start3A_551 : memref<1x1024xf32, #tpu.memory_space<vmem>> -> memref<1024xf32, #tpu.memory_space<vmem>>
      tpu.enqueue_dma source(%dma_start3A_552 : memref<1024xf32, #tpu.memory_space<vmem>>) target(%dma_start3A_549 : memref<1024xf32, #tpu.memory_space<hbm>>) target_semaphore(%arg9 : memref<!tpu.dma_semaphore, #tpu.memory_space<semaphore_mem>>)
      %mul3A_553 = arith.constant 32 : i32
      %mul3A_554 = arith.muli %shift_right_arithmetic3A_178, %mul3A_553 : i32
      %add3A_555 = arith.constant 22 : i32
      %add3A_556 = arith.addi %mul3A_554, %add3A_555 : i32
      %mul3A_557 = arith.constant 262144 : i32
      %mul3A_558 = arith.muli %add3A_556, %mul3A_557 : i32
      %add3A_559 = arith.addi %mul3A_558, %and3A_179 : i32
      %multiple_of3A_560 = tpu.assume_multiple %add3A_559, 8 : i32
      %dma_start3A_561 = arith.constant 22 : i32
      %dma_start3A_562 = arith.constant 0 : i32
      %dma_start3A_563 = tpu.memref_slice %arg7[%dma_start3A_561, %dma_start3A_562] : memref<32x1024xf32, #tpu.memory_space<vmem>> -> memref<1x1024xf32, #tpu.memory_space<vmem>>
      %dma_start3A_564 = tpu.memref_squeeze %dma_start3A_563 : memref<1x1024xf32, #tpu.memory_space<vmem>> -> memref<1024xf32, #tpu.memory_space<vmem>>
      %dma_start3A_565 = tpu.memref_slice %arg4[%multiple_of3A_560] : memref<33554432xf32, #tpu.memory_space<hbm>> -> memref<1024xf32, #tpu.memory_space<hbm>>
      %dma_start3A_566 = tpu.memref_slice %arg4[%multiple_of3A_560] : memref<33554432xf32, #tpu.memory_space<hbm>> -> memref<1024xf32, #tpu.memory_space<hbm>>
      %dma_start3A_567 = arith.constant 0 : i32
      %dma_start3A_568 = tpu.memref_slice %arg7[%dma_start3A_561, %dma_start3A_567] : memref<32x1024xf32, #tpu.memory_space<vmem>> -> memref<1x1024xf32, #tpu.memory_space<vmem>>
      %dma_start3A_569 = tpu.memref_squeeze %dma_start3A_568 : memref<1x1024xf32, #tpu.memory_space<vmem>> -> memref<1024xf32, #tpu.memory_space<vmem>>
      tpu.enqueue_dma source(%dma_start3A_569 : memref<1024xf32, #tpu.memory_space<vmem>>) target(%dma_start3A_566 : memref<1024xf32, #tpu.memory_space<hbm>>) target_semaphore(%arg9 : memref<!tpu.dma_semaphore, #tpu.memory_space<semaphore_mem>>)
      %mul3A_570 = arith.constant 32 : i32
      %mul3A_571 = arith.muli %shift_right_arithmetic3A_178, %mul3A_570 : i32
      %add3A_572 = arith.constant 23 : i32
      %add3A_573 = arith.addi %mul3A_571, %add3A_572 : i32
      %mul3A_574 = arith.constant 262144 : i32
      %mul3A_575 = arith.muli %add3A_573, %mul3A_574 : i32
      %add3A_576 = arith.addi %mul3A_575, %and3A_179 : i32
      %multiple_of3A_577 = tpu.assume_multiple %add3A_576, 8 : i32
      %dma_start3A_578 = arith.constant 23 : i32
      %dma_start3A_579 = arith.constant 0 : i32
      %dma_start3A_580 = tpu.memref_slice %arg7[%dma_start3A_578, %dma_start3A_579] : memref<32x1024xf32, #tpu.memory_space<vmem>> -> memref<1x1024xf32, #tpu.memory_space<vmem>>
      %dma_start3A_581 = tpu.memref_squeeze %dma_start3A_580 : memref<1x1024xf32, #tpu.memory_space<vmem>> -> memref<1024xf32, #tpu.memory_space<vmem>>
      %dma_start3A_582 = tpu.memref_slice %arg4[%multiple_of3A_577] : memref<33554432xf32, #tpu.memory_space<hbm>> -> memref<1024xf32, #tpu.memory_space<hbm>>
      %dma_start3A_583 = tpu.memref_slice %arg4[%multiple_of3A_577] : memref<33554432xf32, #tpu.memory_space<hbm>> -> memref<1024xf32, #tpu.memory_space<hbm>>
      %dma_start3A_584 = arith.constant 0 : i32
      %dma_start3A_585 = tpu.memref_slice %arg7[%dma_start3A_578, %dma_start3A_584] : memref<32x1024xf32, #tpu.memory_space<vmem>> -> memref<1x1024xf32, #tpu.memory_space<vmem>>
      %dma_start3A_586 = tpu.memref_squeeze %dma_start3A_585 : memref<1x1024xf32, #tpu.memory_space<vmem>> -> memref<1024xf32, #tpu.memory_space<vmem>>
      tpu.enqueue_dma source(%dma_start3A_586 : memref<1024xf32, #tpu.memory_space<vmem>>) target(%dma_start3A_583 : memref<1024xf32, #tpu.memory_space<hbm>>) target_semaphore(%arg9 : memref<!tpu.dma_semaphore, #tpu.memory_space<semaphore_mem>>)
      %mul3A_587 = arith.constant 32 : i32
      %mul3A_588 = arith.muli %shift_right_arithmetic3A_178, %mul3A_587 : i32
      %add3A_589 = arith.constant 24 : i32
      %add3A_590 = arith.addi %mul3A_588, %add3A_589 : i32
      %mul3A_591 = arith.constant 262144 : i32
      %mul3A_592 = arith.muli %add3A_590, %mul3A_591 : i32
      %add3A_593 = arith.addi %mul3A_592, %and3A_179 : i32
      %multiple_of3A_594 = tpu.assume_multiple %add3A_593, 8 : i32
      %dma_start3A_595 = arith.constant 24 : i32
      %dma_start3A_596 = arith.constant 0 : i32
      %dma_start3A_597 = tpu.memref_slice %arg7[%dma_start3A_595, %dma_start3A_596] : memref<32x1024xf32, #tpu.memory_space<vmem>> -> memref<1x1024xf32, #tpu.memory_space<vmem>>
      %dma_start3A_598 = tpu.memref_squeeze %dma_start3A_597 : memref<1x1024xf32, #tpu.memory_space<vmem>> -> memref<1024xf32, #tpu.memory_space<vmem>>
      %dma_start3A_599 = tpu.memref_slice %arg4[%multiple_of3A_594] : memref<33554432xf32, #tpu.memory_space<hbm>> -> memref<1024xf32, #tpu.memory_space<hbm>>
      %dma_start3A_600 = tpu.memref_slice %arg4[%multiple_of3A_594] : memref<33554432xf32, #tpu.memory_space<hbm>> -> memref<1024xf32, #tpu.memory_space<hbm>>
      %dma_start3A_601 = arith.constant 0 : i32
      %dma_start3A_602 = tpu.memref_slice %arg7[%dma_start3A_595, %dma_start3A_601] : memref<32x1024xf32, #tpu.memory_space<vmem>> -> memref<1x1024xf32, #tpu.memory_space<vmem>>
      %dma_start3A_603 = tpu.memref_squeeze %dma_start3A_602 : memref<1x1024xf32, #tpu.memory_space<vmem>> -> memref<1024xf32, #tpu.memory_space<vmem>>
      tpu.enqueue_dma source(%dma_start3A_603 : memref<1024xf32, #tpu.memory_space<vmem>>) target(%dma_start3A_600 : memref<1024xf32, #tpu.memory_space<hbm>>) target_semaphore(%arg9 : memref<!tpu.dma_semaphore, #tpu.memory_space<semaphore_mem>>)
      %mul3A_604 = arith.constant 32 : i32
      %mul3A_605 = arith.muli %shift_right_arithmetic3A_178, %mul3A_604 : i32
      %add3A_606 = arith.constant 25 : i32
      %add3A_607 = arith.addi %mul3A_605, %add3A_606 : i32
      %mul3A_608 = arith.constant 262144 : i32
      %mul3A_609 = arith.muli %add3A_607, %mul3A_608 : i32
      %add3A_610 = arith.addi %mul3A_609, %and3A_179 : i32
      %multiple_of3A_611 = tpu.assume_multiple %add3A_610, 8 : i32
      %dma_start3A_612 = arith.constant 25 : i32
      %dma_start3A_613 = arith.constant 0 : i32
      %dma_start3A_614 = tpu.memref_slice %arg7[%dma_start3A_612, %dma_start3A_613] : memref<32x1024xf32, #tpu.memory_space<vmem>> -> memref<1x1024xf32, #tpu.memory_space<vmem>>
      %dma_start3A_615 = tpu.memref_squeeze %dma_start3A_614 : memref<1x1024xf32, #tpu.memory_space<vmem>> -> memref<1024xf32, #tpu.memory_space<vmem>>
      %dma_start3A_616 = tpu.memref_slice %arg4[%multiple_of3A_611] : memref<33554432xf32, #tpu.memory_space<hbm>> -> memref<1024xf32, #tpu.memory_space<hbm>>
      %dma_start3A_617 = tpu.memref_slice %arg4[%multiple_of3A_611] : memref<33554432xf32, #tpu.memory_space<hbm>> -> memref<1024xf32, #tpu.memory_space<hbm>>
      %dma_start3A_618 = arith.constant 0 : i32
      %dma_start3A_619 = tpu.memref_slice %arg7[%dma_start3A_612, %dma_start3A_618] : memref<32x1024xf32, #tpu.memory_space<vmem>> -> memref<1x1024xf32, #tpu.memory_space<vmem>>
      %dma_start3A_620 = tpu.memref_squeeze %dma_start3A_619 : memref<1x1024xf32, #tpu.memory_space<vmem>> -> memref<1024xf32, #tpu.memory_space<vmem>>
      tpu.enqueue_dma source(%dma_start3A_620 : memref<1024xf32, #tpu.memory_space<vmem>>) target(%dma_start3A_617 : memref<1024xf32, #tpu.memory_space<hbm>>) target_semaphore(%arg9 : memref<!tpu.dma_semaphore, #tpu.memory_space<semaphore_mem>>)
      %mul3A_621 = arith.constant 32 : i32
      %mul3A_622 = arith.muli %shift_right_arithmetic3A_178, %mul3A_621 : i32
      %add3A_623 = arith.constant 26 : i32
      %add3A_624 = arith.addi %mul3A_622, %add3A_623 : i32
      %mul3A_625 = arith.constant 262144 : i32
      %mul3A_626 = arith.muli %add3A_624, %mul3A_625 : i32
      %add3A_627 = arith.addi %mul3A_626, %and3A_179 : i32
      %multiple_of3A_628 = tpu.assume_multiple %add3A_627, 8 : i32
      %dma_start3A_629 = arith.constant 26 : i32
      %dma_start3A_630 = arith.constant 0 : i32
      %dma_start3A_631 = tpu.memref_slice %arg7[%dma_start3A_629, %dma_start3A_630] : memref<32x1024xf32, #tpu.memory_space<vmem>> -> memref<1x1024xf32, #tpu.memory_space<vmem>>
      %dma_start3A_632 = tpu.memref_squeeze %dma_start3A_631 : memref<1x1024xf32, #tpu.memory_space<vmem>> -> memref<1024xf32, #tpu.memory_space<vmem>>
      %dma_start3A_633 = tpu.memref_slice %arg4[%multiple_of3A_628] : memref<33554432xf32, #tpu.memory_space<hbm>> -> memref<1024xf32, #tpu.memory_space<hbm>>
      %dma_start3A_634 = tpu.memref_slice %arg4[%multiple_of3A_628] : memref<33554432xf32, #tpu.memory_space<hbm>> -> memref<1024xf32, #tpu.memory_space<hbm>>
      %dma_start3A_635 = arith.constant 0 : i32
      %dma_start3A_636 = tpu.memref_slice %arg7[%dma_start3A_629, %dma_start3A_635] : memref<32x1024xf32, #tpu.memory_space<vmem>> -> memref<1x1024xf32, #tpu.memory_space<vmem>>
      %dma_start3A_637 = tpu.memref_squeeze %dma_start3A_636 : memref<1x1024xf32, #tpu.memory_space<vmem>> -> memref<1024xf32, #tpu.memory_space<vmem>>
      tpu.enqueue_dma source(%dma_start3A_637 : memref<1024xf32, #tpu.memory_space<vmem>>) target(%dma_start3A_634 : memref<1024xf32, #tpu.memory_space<hbm>>) target_semaphore(%arg9 : memref<!tpu.dma_semaphore, #tpu.memory_space<semaphore_mem>>)
      %mul3A_638 = arith.constant 32 : i32
      %mul3A_639 = arith.muli %shift_right_arithmetic3A_178, %mul3A_638 : i32
      %add3A_640 = arith.constant 27 : i32
      %add3A_641 = arith.addi %mul3A_639, %add3A_640 : i32
      %mul3A_642 = arith.constant 262144 : i32
      %mul3A_643 = arith.muli %add3A_641, %mul3A_642 : i32
      %add3A_644 = arith.addi %mul3A_643, %and3A_179 : i32
      %multiple_of3A_645 = tpu.assume_multiple %add3A_644, 8 : i32
      %dma_start3A_646 = arith.constant 27 : i32
      %dma_start3A_647 = arith.constant 0 : i32
      %dma_start3A_648 = tpu.memref_slice %arg7[%dma_start3A_646, %dma_start3A_647] : memref<32x1024xf32, #tpu.memory_space<vmem>> -> memref<1x1024xf32, #tpu.memory_space<vmem>>
      %dma_start3A_649 = tpu.memref_squeeze %dma_start3A_648 : memref<1x1024xf32, #tpu.memory_space<vmem>> -> memref<1024xf32, #tpu.memory_space<vmem>>
      %dma_start3A_650 = tpu.memref_slice %arg4[%multiple_of3A_645] : memref<33554432xf32, #tpu.memory_space<hbm>> -> memref<1024xf32, #tpu.memory_space<hbm>>
      %dma_start3A_651 = tpu.memref_slice %arg4[%multiple_of3A_645] : memref<33554432xf32, #tpu.memory_space<hbm>> -> memref<1024xf32, #tpu.memory_space<hbm>>
      %dma_start3A_652 = arith.constant 0 : i32
      %dma_start3A_653 = tpu.memref_slice %arg7[%dma_start3A_646, %dma_start3A_652] : memref<32x1024xf32, #tpu.memory_space<vmem>> -> memref<1x1024xf32, #tpu.memory_space<vmem>>
      %dma_start3A_654 = tpu.memref_squeeze %dma_start3A_653 : memref<1x1024xf32, #tpu.memory_space<vmem>> -> memref<1024xf32, #tpu.memory_space<vmem>>
      tpu.enqueue_dma source(%dma_start3A_654 : memref<1024xf32, #tpu.memory_space<vmem>>) target(%dma_start3A_651 : memref<1024xf32, #tpu.memory_space<hbm>>) target_semaphore(%arg9 : memref<!tpu.dma_semaphore, #tpu.memory_space<semaphore_mem>>)
      %mul3A_655 = arith.constant 32 : i32
      %mul3A_656 = arith.muli %shift_right_arithmetic3A_178, %mul3A_655 : i32
      %add3A_657 = arith.constant 28 : i32
      %add3A_658 = arith.addi %mul3A_656, %add3A_657 : i32
      %mul3A_659 = arith.constant 262144 : i32
      %mul3A_660 = arith.muli %add3A_658, %mul3A_659 : i32
      %add3A_661 = arith.addi %mul3A_660, %and3A_179 : i32
      %multiple_of3A_662 = tpu.assume_multiple %add3A_661, 8 : i32
      %dma_start3A_663 = arith.constant 28 : i32
      %dma_start3A_664 = arith.constant 0 : i32
      %dma_start3A_665 = tpu.memref_slice %arg7[%dma_start3A_663, %dma_start3A_664] : memref<32x1024xf32, #tpu.memory_space<vmem>> -> memref<1x1024xf32, #tpu.memory_space<vmem>>
      %dma_start3A_666 = tpu.memref_squeeze %dma_start3A_665 : memref<1x1024xf32, #tpu.memory_space<vmem>> -> memref<1024xf32, #tpu.memory_space<vmem>>
      %dma_start3A_667 = tpu.memref_slice %arg4[%multiple_of3A_662] : memref<33554432xf32, #tpu.memory_space<hbm>> -> memref<1024xf32, #tpu.memory_space<hbm>>
      %dma_start3A_668 = tpu.memref_slice %arg4[%multiple_of3A_662] : memref<33554432xf32, #tpu.memory_space<hbm>> -> memref<1024xf32, #tpu.memory_space<hbm>>
      %dma_start3A_669 = arith.constant 0 : i32
      %dma_start3A_670 = tpu.memref_slice %arg7[%dma_start3A_663, %dma_start3A_669] : memref<32x1024xf32, #tpu.memory_space<vmem>> -> memref<1x1024xf32, #tpu.memory_space<vmem>>
      %dma_start3A_671 = tpu.memref_squeeze %dma_start3A_670 : memref<1x1024xf32, #tpu.memory_space<vmem>> -> memref<1024xf32, #tpu.memory_space<vmem>>
      tpu.enqueue_dma source(%dma_start3A_671 : memref<1024xf32, #tpu.memory_space<vmem>>) target(%dma_start3A_668 : memref<1024xf32, #tpu.memory_space<hbm>>) target_semaphore(%arg9 : memref<!tpu.dma_semaphore, #tpu.memory_space<semaphore_mem>>)
      %mul3A_672 = arith.constant 32 : i32
      %mul3A_673 = arith.muli %shift_right_arithmetic3A_178, %mul3A_672 : i32
      %add3A_674 = arith.constant 29 : i32
      %add3A_675 = arith.addi %mul3A_673, %add3A_674 : i32
      %mul3A_676 = arith.constant 262144 : i32
      %mul3A_677 = arith.muli %add3A_675, %mul3A_676 : i32
      %add3A_678 = arith.addi %mul3A_677, %and3A_179 : i32
      %multiple_of3A_679 = tpu.assume_multiple %add3A_678, 8 : i32
      %dma_start3A_680 = arith.constant 29 : i32
      %dma_start3A_681 = arith.constant 0 : i32
      %dma_start3A_682 = tpu.memref_slice %arg7[%dma_start3A_680, %dma_start3A_681] : memref<32x1024xf32, #tpu.memory_space<vmem>> -> memref<1x1024xf32, #tpu.memory_space<vmem>>
      %dma_start3A_683 = tpu.memref_squeeze %dma_start3A_682 : memref<1x1024xf32, #tpu.memory_space<vmem>> -> memref<1024xf32, #tpu.memory_space<vmem>>
      %dma_start3A_684 = tpu.memref_slice %arg4[%multiple_of3A_679] : memref<33554432xf32, #tpu.memory_space<hbm>> -> memref<1024xf32, #tpu.memory_space<hbm>>
      %dma_start3A_685 = tpu.memref_slice %arg4[%multiple_of3A_679] : memref<33554432xf32, #tpu.memory_space<hbm>> -> memref<1024xf32, #tpu.memory_space<hbm>>
      %dma_start3A_686 = arith.constant 0 : i32
      %dma_start3A_687 = tpu.memref_slice %arg7[%dma_start3A_680, %dma_start3A_686] : memref<32x1024xf32, #tpu.memory_space<vmem>> -> memref<1x1024xf32, #tpu.memory_space<vmem>>
      %dma_start3A_688 = tpu.memref_squeeze %dma_start3A_687 : memref<1x1024xf32, #tpu.memory_space<vmem>> -> memref<1024xf32, #tpu.memory_space<vmem>>
      tpu.enqueue_dma source(%dma_start3A_688 : memref<1024xf32, #tpu.memory_space<vmem>>) target(%dma_start3A_685 : memref<1024xf32, #tpu.memory_space<hbm>>) target_semaphore(%arg9 : memref<!tpu.dma_semaphore, #tpu.memory_space<semaphore_mem>>)
      %mul3A_689 = arith.constant 32 : i32
      %mul3A_690 = arith.muli %shift_right_arithmetic3A_178, %mul3A_689 : i32
      %add3A_691 = arith.constant 30 : i32
      %add3A_692 = arith.addi %mul3A_690, %add3A_691 : i32
      %mul3A_693 = arith.constant 262144 : i32
      %mul3A_694 = arith.muli %add3A_692, %mul3A_693 : i32
      %add3A_695 = arith.addi %mul3A_694, %and3A_179 : i32
      %multiple_of3A_696 = tpu.assume_multiple %add3A_695, 8 : i32
      %dma_start3A_697 = arith.constant 30 : i32
      %dma_start3A_698 = arith.constant 0 : i32
      %dma_start3A_699 = tpu.memref_slice %arg7[%dma_start3A_697, %dma_start3A_698] : memref<32x1024xf32, #tpu.memory_space<vmem>> -> memref<1x1024xf32, #tpu.memory_space<vmem>>
      %dma_start3A_700 = tpu.memref_squeeze %dma_start3A_699 : memref<1x1024xf32, #tpu.memory_space<vmem>> -> memref<1024xf32, #tpu.memory_space<vmem>>
      %dma_start3A_701 = tpu.memref_slice %arg4[%multiple_of3A_696] : memref<33554432xf32, #tpu.memory_space<hbm>> -> memref<1024xf32, #tpu.memory_space<hbm>>
      %dma_start3A_702 = tpu.memref_slice %arg4[%multiple_of3A_696] : memref<33554432xf32, #tpu.memory_space<hbm>> -> memref<1024xf32, #tpu.memory_space<hbm>>
      %dma_start3A_703 = arith.constant 0 : i32
      %dma_start3A_704 = tpu.memref_slice %arg7[%dma_start3A_697, %dma_start3A_703] : memref<32x1024xf32, #tpu.memory_space<vmem>> -> memref<1x1024xf32, #tpu.memory_space<vmem>>
      %dma_start3A_705 = tpu.memref_squeeze %dma_start3A_704 : memref<1x1024xf32, #tpu.memory_space<vmem>> -> memref<1024xf32, #tpu.memory_space<vmem>>
      tpu.enqueue_dma source(%dma_start3A_705 : memref<1024xf32, #tpu.memory_space<vmem>>) target(%dma_start3A_702 : memref<1024xf32, #tpu.memory_space<hbm>>) target_semaphore(%arg9 : memref<!tpu.dma_semaphore, #tpu.memory_space<semaphore_mem>>)
      %mul3A_706 = arith.constant 32 : i32
      %mul3A_707 = arith.muli %shift_right_arithmetic3A_178, %mul3A_706 : i32
      %add3A_708 = arith.constant 31 : i32
      %add3A_709 = arith.addi %mul3A_707, %add3A_708 : i32
      %mul3A_710 = arith.constant 262144 : i32
      %mul3A_711 = arith.muli %add3A_709, %mul3A_710 : i32
      %add3A_712 = arith.addi %mul3A_711, %and3A_179 : i32
      %multiple_of3A_713 = tpu.assume_multiple %add3A_712, 8 : i32
      %dma_start3A_714 = arith.constant 31 : i32
      %dma_start3A_715 = arith.constant 0 : i32
      %dma_start3A_716 = tpu.memref_slice %arg7[%dma_start3A_714, %dma_start3A_715] : memref<32x1024xf32, #tpu.memory_space<vmem>> -> memref<1x1024xf32, #tpu.memory_space<vmem>>
      %dma_start3A_717 = tpu.memref_squeeze %dma_start3A_716 : memref<1x1024xf32, #tpu.memory_space<vmem>> -> memref<1024xf32, #tpu.memory_space<vmem>>
      %dma_start3A_718 = tpu.memref_slice %arg4[%multiple_of3A_713] : memref<33554432xf32, #tpu.memory_space<hbm>> -> memref<1024xf32, #tpu.memory_space<hbm>>
      %dma_start3A_719 = tpu.memref_slice %arg4[%multiple_of3A_713] : memref<33554432xf32, #tpu.memory_space<hbm>> -> memref<1024xf32, #tpu.memory_space<hbm>>
      %dma_start3A_720 = arith.constant 0 : i32
      %dma_start3A_721 = tpu.memref_slice %arg7[%dma_start3A_714, %dma_start3A_720] : memref<32x1024xf32, #tpu.memory_space<vmem>> -> memref<1x1024xf32, #tpu.memory_space<vmem>>
      %dma_start3A_722 = tpu.memref_squeeze %dma_start3A_721 : memref<1x1024xf32, #tpu.memory_space<vmem>> -> memref<1024xf32, #tpu.memory_space<vmem>>
      tpu.enqueue_dma source(%dma_start3A_722 : memref<1024xf32, #tpu.memory_space<vmem>>) target(%dma_start3A_719 : memref<1024xf32, #tpu.memory_space<hbm>>) target_semaphore(%arg9 : memref<!tpu.dma_semaphore, #tpu.memory_space<semaphore_mem>>)
      %dma_wait3A_723 = arith.constant 0 : i32
      %dma_wait3A_724 = arith.constant 0 : i32
      %dma_wait3A_725 = tpu.memref_slice %arg7[%dma_wait3A_723, %dma_wait3A_724] : memref<32x1024xf32, #tpu.memory_space<vmem>> -> memref<1x1024xf32, #tpu.memory_space<vmem>>
      %dma_wait3A_726 = tpu.memref_squeeze %dma_wait3A_725 : memref<1x1024xf32, #tpu.memory_space<vmem>> -> memref<1024xf32, #tpu.memory_space<vmem>>
      %dma_wait3A_727 = tpu.memref_slice %arg4[%multiple_of3A] : memref<33554432xf32, #tpu.memory_space<hbm>> -> memref<1024xf32, #tpu.memory_space<hbm>>
      %dma_wait3A_728 = tpu.memref_slice %arg4[%multiple_of3A] : memref<33554432xf32, #tpu.memory_space<hbm>> -> memref<1024xf32, #tpu.memory_space<hbm>>
      %dma_wait3A_729 = arith.constant 0 : i32
      %dma_wait3A_730 = tpu.memref_slice %arg7[%dma_wait3A_723, %dma_wait3A_729] : memref<32x1024xf32, #tpu.memory_space<vmem>> -> memref<1x1024xf32, #tpu.memory_space<vmem>>
      %dma_wait3A_731 = tpu.memref_squeeze %dma_wait3A_730 : memref<1x1024xf32, #tpu.memory_space<vmem>> -> memref<1024xf32, #tpu.memory_space<vmem>>
      tpu.wait_dma2 semaphore(%arg9 : memref<!tpu.dma_semaphore, #tpu.memory_space<semaphore_mem>>) src(%dma_wait3A_731 : memref<1024xf32, #tpu.memory_space<vmem>>) dst(%dma_wait3A_728 : memref<1024xf32, #tpu.memory_space<hbm>>)
      %dma_wait3A_732 = arith.constant 1 : i32
      %dma_wait3A_733 = arith.constant 0 : i32
      %dma_wait3A_734 = tpu.memref_slice %arg7[%dma_wait3A_732, %dma_wait3A_733] : memref<32x1024xf32, #tpu.memory_space<vmem>> -> memref<1x1024xf32, #tpu.memory_space<vmem>>
      %dma_wait3A_735 = tpu.memref_squeeze %dma_wait3A_734 : memref<1x1024xf32, #tpu.memory_space<vmem>> -> memref<1024xf32, #tpu.memory_space<vmem>>
      %dma_wait3A_736 = tpu.memref_slice %arg4[%multiple_of3A_203] : memref<33554432xf32, #tpu.memory_space<hbm>> -> memref<1024xf32, #tpu.memory_space<hbm>>
      %dma_wait3A_737 = tpu.memref_slice %arg4[%multiple_of3A_203] : memref<33554432xf32, #tpu.memory_space<hbm>> -> memref<1024xf32, #tpu.memory_space<hbm>>
      %dma_wait3A_738 = arith.constant 0 : i32
      %dma_wait3A_739 = tpu.memref_slice %arg7[%dma_wait3A_732, %dma_wait3A_738] : memref<32x1024xf32, #tpu.memory_space<vmem>> -> memref<1x1024xf32, #tpu.memory_space<vmem>>
      %dma_wait3A_740 = tpu.memref_squeeze %dma_wait3A_739 : memref<1x1024xf32, #tpu.memory_space<vmem>> -> memref<1024xf32, #tpu.memory_space<vmem>>
      tpu.wait_dma2 semaphore(%arg9 : memref<!tpu.dma_semaphore, #tpu.memory_space<semaphore_mem>>) src(%dma_wait3A_740 : memref<1024xf32, #tpu.memory_space<vmem>>) dst(%dma_wait3A_737 : memref<1024xf32, #tpu.memory_space<hbm>>)
      %dma_wait3A_741 = arith.constant 2 : i32
      %dma_wait3A_742 = arith.constant 0 : i32
      %dma_wait3A_743 = tpu.memref_slice %arg7[%dma_wait3A_741, %dma_wait3A_742] : memref<32x1024xf32, #tpu.memory_space<vmem>> -> memref<1x1024xf32, #tpu.memory_space<vmem>>
      %dma_wait3A_744 = tpu.memref_squeeze %dma_wait3A_743 : memref<1x1024xf32, #tpu.memory_space<vmem>> -> memref<1024xf32, #tpu.memory_space<vmem>>
      %dma_wait3A_745 = tpu.memref_slice %arg4[%multiple_of3A_220] : memref<33554432xf32, #tpu.memory_space<hbm>> -> memref<1024xf32, #tpu.memory_space<hbm>>
      %dma_wait3A_746 = tpu.memref_slice %arg4[%multiple_of3A_220] : memref<33554432xf32, #tpu.memory_space<hbm>> -> memref<1024xf32, #tpu.memory_space<hbm>>
      %dma_wait3A_747 = arith.constant 0 : i32
      %dma_wait3A_748 = tpu.memref_slice %arg7[%dma_wait3A_741, %dma_wait3A_747] : memref<32x1024xf32, #tpu.memory_space<vmem>> -> memref<1x1024xf32, #tpu.memory_space<vmem>>
      %dma_wait3A_749 = tpu.memref_squeeze %dma_wait3A_748 : memref<1x1024xf32, #tpu.memory_space<vmem>> -> memref<1024xf32, #tpu.memory_space<vmem>>
      tpu.wait_dma2 semaphore(%arg9 : memref<!tpu.dma_semaphore, #tpu.memory_space<semaphore_mem>>) src(%dma_wait3A_749 : memref<1024xf32, #tpu.memory_space<vmem>>) dst(%dma_wait3A_746 : memref<1024xf32, #tpu.memory_space<hbm>>)
      %dma_wait3A_750 = arith.constant 3 : i32
      %dma_wait3A_751 = arith.constant 0 : i32
      %dma_wait3A_752 = tpu.memref_slice %arg7[%dma_wait3A_750, %dma_wait3A_751] : memref<32x1024xf32, #tpu.memory_space<vmem>> -> memref<1x1024xf32, #tpu.memory_space<vmem>>
      %dma_wait3A_753 = tpu.memref_squeeze %dma_wait3A_752 : memref<1x1024xf32, #tpu.memory_space<vmem>> -> memref<1024xf32, #tpu.memory_space<vmem>>
      %dma_wait3A_754 = tpu.memref_slice %arg4[%multiple_of3A_237] : memref<33554432xf32, #tpu.memory_space<hbm>> -> memref<1024xf32, #tpu.memory_space<hbm>>
      %dma_wait3A_755 = tpu.memref_slice %arg4[%multiple_of3A_237] : memref<33554432xf32, #tpu.memory_space<hbm>> -> memref<1024xf32, #tpu.memory_space<hbm>>
      %dma_wait3A_756 = arith.constant 0 : i32
      %dma_wait3A_757 = tpu.memref_slice %arg7[%dma_wait3A_750, %dma_wait3A_756] : memref<32x1024xf32, #tpu.memory_space<vmem>> -> memref<1x1024xf32, #tpu.memory_space<vmem>>
      %dma_wait3A_758 = tpu.memref_squeeze %dma_wait3A_757 : memref<1x1024xf32, #tpu.memory_space<vmem>> -> memref<1024xf32, #tpu.memory_space<vmem>>
      tpu.wait_dma2 semaphore(%arg9 : memref<!tpu.dma_semaphore, #tpu.memory_space<semaphore_mem>>) src(%dma_wait3A_758 : memref<1024xf32, #tpu.memory_space<vmem>>) dst(%dma_wait3A_755 : memref<1024xf32, #tpu.memory_space<hbm>>)
      %dma_wait3A_759 = arith.constant 4 : i32
      %dma_wait3A_760 = arith.constant 0 : i32
      %dma_wait3A_761 = tpu.memref_slice %arg7[%dma_wait3A_759, %dma_wait3A_760] : memref<32x1024xf32, #tpu.memory_space<vmem>> -> memref<1x1024xf32, #tpu.memory_space<vmem>>
      %dma_wait3A_762 = tpu.memref_squeeze %dma_wait3A_761 : memref<1x1024xf32, #tpu.memory_space<vmem>> -> memref<1024xf32, #tpu.memory_space<vmem>>
      %dma_wait3A_763 = tpu.memref_slice %arg4[%multiple_of3A_254] : memref<33554432xf32, #tpu.memory_space<hbm>> -> memref<1024xf32, #tpu.memory_space<hbm>>
      %dma_wait3A_764 = tpu.memref_slice %arg4[%multiple_of3A_254] : memref<33554432xf32, #tpu.memory_space<hbm>> -> memref<1024xf32, #tpu.memory_space<hbm>>
      %dma_wait3A_765 = arith.constant 0 : i32
      %dma_wait3A_766 = tpu.memref_slice %arg7[%dma_wait3A_759, %dma_wait3A_765] : memref<32x1024xf32, #tpu.memory_space<vmem>> -> memref<1x1024xf32, #tpu.memory_space<vmem>>
      %dma_wait3A_767 = tpu.memref_squeeze %dma_wait3A_766 : memref<1x1024xf32, #tpu.memory_space<vmem>> -> memref<1024xf32, #tpu.memory_space<vmem>>
      tpu.wait_dma2 semaphore(%arg9 : memref<!tpu.dma_semaphore, #tpu.memory_space<semaphore_mem>>) src(%dma_wait3A_767 : memref<1024xf32, #tpu.memory_space<vmem>>) dst(%dma_wait3A_764 : memref<1024xf32, #tpu.memory_space<hbm>>)
      %dma_wait3A_768 = arith.constant 5 : i32
      %dma_wait3A_769 = arith.constant 0 : i32
      %dma_wait3A_770 = tpu.memref_slice %arg7[%dma_wait3A_768, %dma_wait3A_769] : memref<32x1024xf32, #tpu.memory_space<vmem>> -> memref<1x1024xf32, #tpu.memory_space<vmem>>
      %dma_wait3A_771 = tpu.memref_squeeze %dma_wait3A_770 : memref<1x1024xf32, #tpu.memory_space<vmem>> -> memref<1024xf32, #tpu.memory_space<vmem>>
      %dma_wait3A_772 = tpu.memref_slice %arg4[%multiple_of3A_271] : memref<33554432xf32, #tpu.memory_space<hbm>> -> memref<1024xf32, #tpu.memory_space<hbm>>
      %dma_wait3A_773 = tpu.memref_slice %arg4[%multiple_of3A_271] : memref<33554432xf32, #tpu.memory_space<hbm>> -> memref<1024xf32, #tpu.memory_space<hbm>>
      %dma_wait3A_774 = arith.constant 0 : i32
      %dma_wait3A_775 = tpu.memref_slice %arg7[%dma_wait3A_768, %dma_wait3A_774] : memref<32x1024xf32, #tpu.memory_space<vmem>> -> memref<1x1024xf32, #tpu.memory_space<vmem>>
      %dma_wait3A_776 = tpu.memref_squeeze %dma_wait3A_775 : memref<1x1024xf32, #tpu.memory_space<vmem>> -> memref<1024xf32, #tpu.memory_space<vmem>>
      tpu.wait_dma2 semaphore(%arg9 : memref<!tpu.dma_semaphore, #tpu.memory_space<semaphore_mem>>) src(%dma_wait3A_776 : memref<1024xf32, #tpu.memory_space<vmem>>) dst(%dma_wait3A_773 : memref<1024xf32, #tpu.memory_space<hbm>>)
      %dma_wait3A_777 = arith.constant 6 : i32
      %dma_wait3A_778 = arith.constant 0 : i32
      %dma_wait3A_779 = tpu.memref_slice %arg7[%dma_wait3A_777, %dma_wait3A_778] : memref<32x1024xf32, #tpu.memory_space<vmem>> -> memref<1x1024xf32, #tpu.memory_space<vmem>>
      %dma_wait3A_780 = tpu.memref_squeeze %dma_wait3A_779 : memref<1x1024xf32, #tpu.memory_space<vmem>> -> memref<1024xf32, #tpu.memory_space<vmem>>
      %dma_wait3A_781 = tpu.memref_slice %arg4[%multiple_of3A_288] : memref<33554432xf32, #tpu.memory_space<hbm>> -> memref<1024xf32, #tpu.memory_space<hbm>>
      %dma_wait3A_782 = tpu.memref_slice %arg4[%multiple_of3A_288] : memref<33554432xf32, #tpu.memory_space<hbm>> -> memref<1024xf32, #tpu.memory_space<hbm>>
      %dma_wait3A_783 = arith.constant 0 : i32
      %dma_wait3A_784 = tpu.memref_slice %arg7[%dma_wait3A_777, %dma_wait3A_783] : memref<32x1024xf32, #tpu.memory_space<vmem>> -> memref<1x1024xf32, #tpu.memory_space<vmem>>
      %dma_wait3A_785 = tpu.memref_squeeze %dma_wait3A_784 : memref<1x1024xf32, #tpu.memory_space<vmem>> -> memref<1024xf32, #tpu.memory_space<vmem>>
      tpu.wait_dma2 semaphore(%arg9 : memref<!tpu.dma_semaphore, #tpu.memory_space<semaphore_mem>>) src(%dma_wait3A_785 : memref<1024xf32, #tpu.memory_space<vmem>>) dst(%dma_wait3A_782 : memref<1024xf32, #tpu.memory_space<hbm>>)
      %dma_wait3A_786 = arith.constant 7 : i32
      %dma_wait3A_787 = arith.constant 0 : i32
      %dma_wait3A_788 = tpu.memref_slice %arg7[%dma_wait3A_786, %dma_wait3A_787] : memref<32x1024xf32, #tpu.memory_space<vmem>> -> memref<1x1024xf32, #tpu.memory_space<vmem>>
      %dma_wait3A_789 = tpu.memref_squeeze %dma_wait3A_788 : memref<1x1024xf32, #tpu.memory_space<vmem>> -> memref<1024xf32, #tpu.memory_space<vmem>>
      %dma_wait3A_790 = tpu.memref_slice %arg4[%multiple_of3A_305] : memref<33554432xf32, #tpu.memory_space<hbm>> -> memref<1024xf32, #tpu.memory_space<hbm>>
      %dma_wait3A_791 = tpu.memref_slice %arg4[%multiple_of3A_305] : memref<33554432xf32, #tpu.memory_space<hbm>> -> memref<1024xf32, #tpu.memory_space<hbm>>
      %dma_wait3A_792 = arith.constant 0 : i32
      %dma_wait3A_793 = tpu.memref_slice %arg7[%dma_wait3A_786, %dma_wait3A_792] : memref<32x1024xf32, #tpu.memory_space<vmem>> -> memref<1x1024xf32, #tpu.memory_space<vmem>>
      %dma_wait3A_794 = tpu.memref_squeeze %dma_wait3A_793 : memref<1x1024xf32, #tpu.memory_space<vmem>> -> memref<1024xf32, #tpu.memory_space<vmem>>
      tpu.wait_dma2 semaphore(%arg9 : memref<!tpu.dma_semaphore, #tpu.memory_space<semaphore_mem>>) src(%dma_wait3A_794 : memref<1024xf32, #tpu.memory_space<vmem>>) dst(%dma_wait3A_791 : memref<1024xf32, #tpu.memory_space<hbm>>)
      %dma_wait3A_795 = arith.constant 8 : i32
      %dma_wait3A_796 = arith.constant 0 : i32
      %dma_wait3A_797 = tpu.memref_slice %arg7[%dma_wait3A_795, %dma_wait3A_796] : memref<32x1024xf32, #tpu.memory_space<vmem>> -> memref<1x1024xf32, #tpu.memory_space<vmem>>
      %dma_wait3A_798 = tpu.memref_squeeze %dma_wait3A_797 : memref<1x1024xf32, #tpu.memory_space<vmem>> -> memref<1024xf32, #tpu.memory_space<vmem>>
      %dma_wait3A_799 = tpu.memref_slice %arg4[%multiple_of3A_322] : memref<33554432xf32, #tpu.memory_space<hbm>> -> memref<1024xf32, #tpu.memory_space<hbm>>
      %dma_wait3A_800 = tpu.memref_slice %arg4[%multiple_of3A_322] : memref<33554432xf32, #tpu.memory_space<hbm>> -> memref<1024xf32, #tpu.memory_space<hbm>>
      %dma_wait3A_801 = arith.constant 0 : i32
      %dma_wait3A_802 = tpu.memref_slice %arg7[%dma_wait3A_795, %dma_wait3A_801] : memref<32x1024xf32, #tpu.memory_space<vmem>> -> memref<1x1024xf32, #tpu.memory_space<vmem>>
      %dma_wait3A_803 = tpu.memref_squeeze %dma_wait3A_802 : memref<1x1024xf32, #tpu.memory_space<vmem>> -> memref<1024xf32, #tpu.memory_space<vmem>>
      tpu.wait_dma2 semaphore(%arg9 : memref<!tpu.dma_semaphore, #tpu.memory_space<semaphore_mem>>) src(%dma_wait3A_803 : memref<1024xf32, #tpu.memory_space<vmem>>) dst(%dma_wait3A_800 : memref<1024xf32, #tpu.memory_space<hbm>>)
      %dma_wait3A_804 = arith.constant 9 : i32
      %dma_wait3A_805 = arith.constant 0 : i32
      %dma_wait3A_806 = tpu.memref_slice %arg7[%dma_wait3A_804, %dma_wait3A_805] : memref<32x1024xf32, #tpu.memory_space<vmem>> -> memref<1x1024xf32, #tpu.memory_space<vmem>>
      %dma_wait3A_807 = tpu.memref_squeeze %dma_wait3A_806 : memref<1x1024xf32, #tpu.memory_space<vmem>> -> memref<1024xf32, #tpu.memory_space<vmem>>
      %dma_wait3A_808 = tpu.memref_slice %arg4[%multiple_of3A_339] : memref<33554432xf32, #tpu.memory_space<hbm>> -> memref<1024xf32, #tpu.memory_space<hbm>>
      %dma_wait3A_809 = tpu.memref_slice %arg4[%multiple_of3A_339] : memref<33554432xf32, #tpu.memory_space<hbm>> -> memref<1024xf32, #tpu.memory_space<hbm>>
      %dma_wait3A_810 = arith.constant 0 : i32
      %dma_wait3A_811 = tpu.memref_slice %arg7[%dma_wait3A_804, %dma_wait3A_810] : memref<32x1024xf32, #tpu.memory_space<vmem>> -> memref<1x1024xf32, #tpu.memory_space<vmem>>
      %dma_wait3A_812 = tpu.memref_squeeze %dma_wait3A_811 : memref<1x1024xf32, #tpu.memory_space<vmem>> -> memref<1024xf32, #tpu.memory_space<vmem>>
      tpu.wait_dma2 semaphore(%arg9 : memref<!tpu.dma_semaphore, #tpu.memory_space<semaphore_mem>>) src(%dma_wait3A_812 : memref<1024xf32, #tpu.memory_space<vmem>>) dst(%dma_wait3A_809 : memref<1024xf32, #tpu.memory_space<hbm>>)
      %dma_wait3A_813 = arith.constant 10 : i32
      %dma_wait3A_814 = arith.constant 0 : i32
      %dma_wait3A_815 = tpu.memref_slice %arg7[%dma_wait3A_813, %dma_wait3A_814] : memref<32x1024xf32, #tpu.memory_space<vmem>> -> memref<1x1024xf32, #tpu.memory_space<vmem>>
      %dma_wait3A_816 = tpu.memref_squeeze %dma_wait3A_815 : memref<1x1024xf32, #tpu.memory_space<vmem>> -> memref<1024xf32, #tpu.memory_space<vmem>>
      %dma_wait3A_817 = tpu.memref_slice %arg4[%multiple_of3A_356] : memref<33554432xf32, #tpu.memory_space<hbm>> -> memref<1024xf32, #tpu.memory_space<hbm>>
      %dma_wait3A_818 = tpu.memref_slice %arg4[%multiple_of3A_356] : memref<33554432xf32, #tpu.memory_space<hbm>> -> memref<1024xf32, #tpu.memory_space<hbm>>
      %dma_wait3A_819 = arith.constant 0 : i32
      %dma_wait3A_820 = tpu.memref_slice %arg7[%dma_wait3A_813, %dma_wait3A_819] : memref<32x1024xf32, #tpu.memory_space<vmem>> -> memref<1x1024xf32, #tpu.memory_space<vmem>>
      %dma_wait3A_821 = tpu.memref_squeeze %dma_wait3A_820 : memref<1x1024xf32, #tpu.memory_space<vmem>> -> memref<1024xf32, #tpu.memory_space<vmem>>
      tpu.wait_dma2 semaphore(%arg9 : memref<!tpu.dma_semaphore, #tpu.memory_space<semaphore_mem>>) src(%dma_wait3A_821 : memref<1024xf32, #tpu.memory_space<vmem>>) dst(%dma_wait3A_818 : memref<1024xf32, #tpu.memory_space<hbm>>)
      %dma_wait3A_822 = arith.constant 11 : i32
      %dma_wait3A_823 = arith.constant 0 : i32
      %dma_wait3A_824 = tpu.memref_slice %arg7[%dma_wait3A_822, %dma_wait3A_823] : memref<32x1024xf32, #tpu.memory_space<vmem>> -> memref<1x1024xf32, #tpu.memory_space<vmem>>
      %dma_wait3A_825 = tpu.memref_squeeze %dma_wait3A_824 : memref<1x1024xf32, #tpu.memory_space<vmem>> -> memref<1024xf32, #tpu.memory_space<vmem>>
      %dma_wait3A_826 = tpu.memref_slice %arg4[%multiple_of3A_373] : memref<33554432xf32, #tpu.memory_space<hbm>> -> memref<1024xf32, #tpu.memory_space<hbm>>
      %dma_wait3A_827 = tpu.memref_slice %arg4[%multiple_of3A_373] : memref<33554432xf32, #tpu.memory_space<hbm>> -> memref<1024xf32, #tpu.memory_space<hbm>>
      %dma_wait3A_828 = arith.constant 0 : i32
      %dma_wait3A_829 = tpu.memref_slice %arg7[%dma_wait3A_822, %dma_wait3A_828] : memref<32x1024xf32, #tpu.memory_space<vmem>> -> memref<1x1024xf32, #tpu.memory_space<vmem>>
      %dma_wait3A_830 = tpu.memref_squeeze %dma_wait3A_829 : memref<1x1024xf32, #tpu.memory_space<vmem>> -> memref<1024xf32, #tpu.memory_space<vmem>>
      tpu.wait_dma2 semaphore(%arg9 : memref<!tpu.dma_semaphore, #tpu.memory_space<semaphore_mem>>) src(%dma_wait3A_830 : memref<1024xf32, #tpu.memory_space<vmem>>) dst(%dma_wait3A_827 : memref<1024xf32, #tpu.memory_space<hbm>>)
      %dma_wait3A_831 = arith.constant 12 : i32
      %dma_wait3A_832 = arith.constant 0 : i32
      %dma_wait3A_833 = tpu.memref_slice %arg7[%dma_wait3A_831, %dma_wait3A_832] : memref<32x1024xf32, #tpu.memory_space<vmem>> -> memref<1x1024xf32, #tpu.memory_space<vmem>>
      %dma_wait3A_834 = tpu.memref_squeeze %dma_wait3A_833 : memref<1x1024xf32, #tpu.memory_space<vmem>> -> memref<1024xf32, #tpu.memory_space<vmem>>
      %dma_wait3A_835 = tpu.memref_slice %arg4[%multiple_of3A_390] : memref<33554432xf32, #tpu.memory_space<hbm>> -> memref<1024xf32, #tpu.memory_space<hbm>>
      %dma_wait3A_836 = tpu.memref_slice %arg4[%multiple_of3A_390] : memref<33554432xf32, #tpu.memory_space<hbm>> -> memref<1024xf32, #tpu.memory_space<hbm>>
      %dma_wait3A_837 = arith.constant 0 : i32
      %dma_wait3A_838 = tpu.memref_slice %arg7[%dma_wait3A_831, %dma_wait3A_837] : memref<32x1024xf32, #tpu.memory_space<vmem>> -> memref<1x1024xf32, #tpu.memory_space<vmem>>
      %dma_wait3A_839 = tpu.memref_squeeze %dma_wait3A_838 : memref<1x1024xf32, #tpu.memory_space<vmem>> -> memref<1024xf32, #tpu.memory_space<vmem>>
      tpu.wait_dma2 semaphore(%arg9 : memref<!tpu.dma_semaphore, #tpu.memory_space<semaphore_mem>>) src(%dma_wait3A_839 : memref<1024xf32, #tpu.memory_space<vmem>>) dst(%dma_wait3A_836 : memref<1024xf32, #tpu.memory_space<hbm>>)
      %dma_wait3A_840 = arith.constant 13 : i32
      %dma_wait3A_841 = arith.constant 0 : i32
      %dma_wait3A_842 = tpu.memref_slice %arg7[%dma_wait3A_840, %dma_wait3A_841] : memref<32x1024xf32, #tpu.memory_space<vmem>> -> memref<1x1024xf32, #tpu.memory_space<vmem>>
      %dma_wait3A_843 = tpu.memref_squeeze %dma_wait3A_842 : memref<1x1024xf32, #tpu.memory_space<vmem>> -> memref<1024xf32, #tpu.memory_space<vmem>>
      %dma_wait3A_844 = tpu.memref_slice %arg4[%multiple_of3A_407] : memref<33554432xf32, #tpu.memory_space<hbm>> -> memref<1024xf32, #tpu.memory_space<hbm>>
      %dma_wait3A_845 = tpu.memref_slice %arg4[%multiple_of3A_407] : memref<33554432xf32, #tpu.memory_space<hbm>> -> memref<1024xf32, #tpu.memory_space<hbm>>
      %dma_wait3A_846 = arith.constant 0 : i32
      %dma_wait3A_847 = tpu.memref_slice %arg7[%dma_wait3A_840, %dma_wait3A_846] : memref<32x1024xf32, #tpu.memory_space<vmem>> -> memref<1x1024xf32, #tpu.memory_space<vmem>>
      %dma_wait3A_848 = tpu.memref_squeeze %dma_wait3A_847 : memref<1x1024xf32, #tpu.memory_space<vmem>> -> memref<1024xf32, #tpu.memory_space<vmem>>
      tpu.wait_dma2 semaphore(%arg9 : memref<!tpu.dma_semaphore, #tpu.memory_space<semaphore_mem>>) src(%dma_wait3A_848 : memref<1024xf32, #tpu.memory_space<vmem>>) dst(%dma_wait3A_845 : memref<1024xf32, #tpu.memory_space<hbm>>)
      %dma_wait3A_849 = arith.constant 14 : i32
      %dma_wait3A_850 = arith.constant 0 : i32
      %dma_wait3A_851 = tpu.memref_slice %arg7[%dma_wait3A_849, %dma_wait3A_850] : memref<32x1024xf32, #tpu.memory_space<vmem>> -> memref<1x1024xf32, #tpu.memory_space<vmem>>
      %dma_wait3A_852 = tpu.memref_squeeze %dma_wait3A_851 : memref<1x1024xf32, #tpu.memory_space<vmem>> -> memref<1024xf32, #tpu.memory_space<vmem>>
      %dma_wait3A_853 = tpu.memref_slice %arg4[%multiple_of3A_424] : memref<33554432xf32, #tpu.memory_space<hbm>> -> memref<1024xf32, #tpu.memory_space<hbm>>
      %dma_wait3A_854 = tpu.memref_slice %arg4[%multiple_of3A_424] : memref<33554432xf32, #tpu.memory_space<hbm>> -> memref<1024xf32, #tpu.memory_space<hbm>>
      %dma_wait3A_855 = arith.constant 0 : i32
      %dma_wait3A_856 = tpu.memref_slice %arg7[%dma_wait3A_849, %dma_wait3A_855] : memref<32x1024xf32, #tpu.memory_space<vmem>> -> memref<1x1024xf32, #tpu.memory_space<vmem>>
      %dma_wait3A_857 = tpu.memref_squeeze %dma_wait3A_856 : memref<1x1024xf32, #tpu.memory_space<vmem>> -> memref<1024xf32, #tpu.memory_space<vmem>>
      tpu.wait_dma2 semaphore(%arg9 : memref<!tpu.dma_semaphore, #tpu.memory_space<semaphore_mem>>) src(%dma_wait3A_857 : memref<1024xf32, #tpu.memory_space<vmem>>) dst(%dma_wait3A_854 : memref<1024xf32, #tpu.memory_space<hbm>>)
      %dma_wait3A_858 = arith.constant 15 : i32
      %dma_wait3A_859 = arith.constant 0 : i32
      %dma_wait3A_860 = tpu.memref_slice %arg7[%dma_wait3A_858, %dma_wait3A_859] : memref<32x1024xf32, #tpu.memory_space<vmem>> -> memref<1x1024xf32, #tpu.memory_space<vmem>>
      %dma_wait3A_861 = tpu.memref_squeeze %dma_wait3A_860 : memref<1x1024xf32, #tpu.memory_space<vmem>> -> memref<1024xf32, #tpu.memory_space<vmem>>
      %dma_wait3A_862 = tpu.memref_slice %arg4[%multiple_of3A_441] : memref<33554432xf32, #tpu.memory_space<hbm>> -> memref<1024xf32, #tpu.memory_space<hbm>>
      %dma_wait3A_863 = tpu.memref_slice %arg4[%multiple_of3A_441] : memref<33554432xf32, #tpu.memory_space<hbm>> -> memref<1024xf32, #tpu.memory_space<hbm>>
      %dma_wait3A_864 = arith.constant 0 : i32
      %dma_wait3A_865 = tpu.memref_slice %arg7[%dma_wait3A_858, %dma_wait3A_864] : memref<32x1024xf32, #tpu.memory_space<vmem>> -> memref<1x1024xf32, #tpu.memory_space<vmem>>
      %dma_wait3A_866 = tpu.memref_squeeze %dma_wait3A_865 : memref<1x1024xf32, #tpu.memory_space<vmem>> -> memref<1024xf32, #tpu.memory_space<vmem>>
      tpu.wait_dma2 semaphore(%arg9 : memref<!tpu.dma_semaphore, #tpu.memory_space<semaphore_mem>>) src(%dma_wait3A_866 : memref<1024xf32, #tpu.memory_space<vmem>>) dst(%dma_wait3A_863 : memref<1024xf32, #tpu.memory_space<hbm>>)
      %dma_wait3A_867 = arith.constant 16 : i32
      %dma_wait3A_868 = arith.constant 0 : i32
      %dma_wait3A_869 = tpu.memref_slice %arg7[%dma_wait3A_867, %dma_wait3A_868] : memref<32x1024xf32, #tpu.memory_space<vmem>> -> memref<1x1024xf32, #tpu.memory_space<vmem>>
      %dma_wait3A_870 = tpu.memref_squeeze %dma_wait3A_869 : memref<1x1024xf32, #tpu.memory_space<vmem>> -> memref<1024xf32, #tpu.memory_space<vmem>>
      %dma_wait3A_871 = tpu.memref_slice %arg4[%multiple_of3A_458] : memref<33554432xf32, #tpu.memory_space<hbm>> -> memref<1024xf32, #tpu.memory_space<hbm>>
      %dma_wait3A_872 = tpu.memref_slice %arg4[%multiple_of3A_458] : memref<33554432xf32, #tpu.memory_space<hbm>> -> memref<1024xf32, #tpu.memory_space<hbm>>
      %dma_wait3A_873 = arith.constant 0 : i32
      %dma_wait3A_874 = tpu.memref_slice %arg7[%dma_wait3A_867, %dma_wait3A_873] : memref<32x1024xf32, #tpu.memory_space<vmem>> -> memref<1x1024xf32, #tpu.memory_space<vmem>>
      %dma_wait3A_875 = tpu.memref_squeeze %dma_wait3A_874 : memref<1x1024xf32, #tpu.memory_space<vmem>> -> memref<1024xf32, #tpu.memory_space<vmem>>
      tpu.wait_dma2 semaphore(%arg9 : memref<!tpu.dma_semaphore, #tpu.memory_space<semaphore_mem>>) src(%dma_wait3A_875 : memref<1024xf32, #tpu.memory_space<vmem>>) dst(%dma_wait3A_872 : memref<1024xf32, #tpu.memory_space<hbm>>)
      %dma_wait3A_876 = arith.constant 17 : i32
      %dma_wait3A_877 = arith.constant 0 : i32
      %dma_wait3A_878 = tpu.memref_slice %arg7[%dma_wait3A_876, %dma_wait3A_877] : memref<32x1024xf32, #tpu.memory_space<vmem>> -> memref<1x1024xf32, #tpu.memory_space<vmem>>
      %dma_wait3A_879 = tpu.memref_squeeze %dma_wait3A_878 : memref<1x1024xf32, #tpu.memory_space<vmem>> -> memref<1024xf32, #tpu.memory_space<vmem>>
      %dma_wait3A_880 = tpu.memref_slice %arg4[%multiple_of3A_475] : memref<33554432xf32, #tpu.memory_space<hbm>> -> memref<1024xf32, #tpu.memory_space<hbm>>
      %dma_wait3A_881 = tpu.memref_slice %arg4[%multiple_of3A_475] : memref<33554432xf32, #tpu.memory_space<hbm>> -> memref<1024xf32, #tpu.memory_space<hbm>>
      %dma_wait3A_882 = arith.constant 0 : i32
      %dma_wait3A_883 = tpu.memref_slice %arg7[%dma_wait3A_876, %dma_wait3A_882] : memref<32x1024xf32, #tpu.memory_space<vmem>> -> memref<1x1024xf32, #tpu.memory_space<vmem>>
      %dma_wait3A_884 = tpu.memref_squeeze %dma_wait3A_883 : memref<1x1024xf32, #tpu.memory_space<vmem>> -> memref<1024xf32, #tpu.memory_space<vmem>>
      tpu.wait_dma2 semaphore(%arg9 : memref<!tpu.dma_semaphore, #tpu.memory_space<semaphore_mem>>) src(%dma_wait3A_884 : memref<1024xf32, #tpu.memory_space<vmem>>) dst(%dma_wait3A_881 : memref<1024xf32, #tpu.memory_space<hbm>>)
      %dma_wait3A_885 = arith.constant 18 : i32
      %dma_wait3A_886 = arith.constant 0 : i32
      %dma_wait3A_887 = tpu.memref_slice %arg7[%dma_wait3A_885, %dma_wait3A_886] : memref<32x1024xf32, #tpu.memory_space<vmem>> -> memref<1x1024xf32, #tpu.memory_space<vmem>>
      %dma_wait3A_888 = tpu.memref_squeeze %dma_wait3A_887 : memref<1x1024xf32, #tpu.memory_space<vmem>> -> memref<1024xf32, #tpu.memory_space<vmem>>
      %dma_wait3A_889 = tpu.memref_slice %arg4[%multiple_of3A_492] : memref<33554432xf32, #tpu.memory_space<hbm>> -> memref<1024xf32, #tpu.memory_space<hbm>>
      %dma_wait3A_890 = tpu.memref_slice %arg4[%multiple_of3A_492] : memref<33554432xf32, #tpu.memory_space<hbm>> -> memref<1024xf32, #tpu.memory_space<hbm>>
      %dma_wait3A_891 = arith.constant 0 : i32
      %dma_wait3A_892 = tpu.memref_slice %arg7[%dma_wait3A_885, %dma_wait3A_891] : memref<32x1024xf32, #tpu.memory_space<vmem>> -> memref<1x1024xf32, #tpu.memory_space<vmem>>
      %dma_wait3A_893 = tpu.memref_squeeze %dma_wait3A_892 : memref<1x1024xf32, #tpu.memory_space<vmem>> -> memref<1024xf32, #tpu.memory_space<vmem>>
      tpu.wait_dma2 semaphore(%arg9 : memref<!tpu.dma_semaphore, #tpu.memory_space<semaphore_mem>>) src(%dma_wait3A_893 : memref<1024xf32, #tpu.memory_space<vmem>>) dst(%dma_wait3A_890 : memref<1024xf32, #tpu.memory_space<hbm>>)
      %dma_wait3A_894 = arith.constant 19 : i32
      %dma_wait3A_895 = arith.constant 0 : i32
      %dma_wait3A_896 = tpu.memref_slice %arg7[%dma_wait3A_894, %dma_wait3A_895] : memref<32x1024xf32, #tpu.memory_space<vmem>> -> memref<1x1024xf32, #tpu.memory_space<vmem>>
      %dma_wait3A_897 = tpu.memref_squeeze %dma_wait3A_896 : memref<1x1024xf32, #tpu.memory_space<vmem>> -> memref<1024xf32, #tpu.memory_space<vmem>>
      %dma_wait3A_898 = tpu.memref_slice %arg4[%multiple_of3A_509] : memref<33554432xf32, #tpu.memory_space<hbm>> -> memref<1024xf32, #tpu.memory_space<hbm>>
      %dma_wait3A_899 = tpu.memref_slice %arg4[%multiple_of3A_509] : memref<33554432xf32, #tpu.memory_space<hbm>> -> memref<1024xf32, #tpu.memory_space<hbm>>
      %dma_wait3A_900 = arith.constant 0 : i32
      %dma_wait3A_901 = tpu.memref_slice %arg7[%dma_wait3A_894, %dma_wait3A_900] : memref<32x1024xf32, #tpu.memory_space<vmem>> -> memref<1x1024xf32, #tpu.memory_space<vmem>>
      %dma_wait3A_902 = tpu.memref_squeeze %dma_wait3A_901 : memref<1x1024xf32, #tpu.memory_space<vmem>> -> memref<1024xf32, #tpu.memory_space<vmem>>
      tpu.wait_dma2 semaphore(%arg9 : memref<!tpu.dma_semaphore, #tpu.memory_space<semaphore_mem>>) src(%dma_wait3A_902 : memref<1024xf32, #tpu.memory_space<vmem>>) dst(%dma_wait3A_899 : memref<1024xf32, #tpu.memory_space<hbm>>)
      %dma_wait3A_903 = arith.constant 20 : i32
      %dma_wait3A_904 = arith.constant 0 : i32
      %dma_wait3A_905 = tpu.memref_slice %arg7[%dma_wait3A_903, %dma_wait3A_904] : memref<32x1024xf32, #tpu.memory_space<vmem>> -> memref<1x1024xf32, #tpu.memory_space<vmem>>
      %dma_wait3A_906 = tpu.memref_squeeze %dma_wait3A_905 : memref<1x1024xf32, #tpu.memory_space<vmem>> -> memref<1024xf32, #tpu.memory_space<vmem>>
      %dma_wait3A_907 = tpu.memref_slice %arg4[%multiple_of3A_526] : memref<33554432xf32, #tpu.memory_space<hbm>> -> memref<1024xf32, #tpu.memory_space<hbm>>
      %dma_wait3A_908 = tpu.memref_slice %arg4[%multiple_of3A_526] : memref<33554432xf32, #tpu.memory_space<hbm>> -> memref<1024xf32, #tpu.memory_space<hbm>>
      %dma_wait3A_909 = arith.constant 0 : i32
      %dma_wait3A_910 = tpu.memref_slice %arg7[%dma_wait3A_903, %dma_wait3A_909] : memref<32x1024xf32, #tpu.memory_space<vmem>> -> memref<1x1024xf32, #tpu.memory_space<vmem>>
      %dma_wait3A_911 = tpu.memref_squeeze %dma_wait3A_910 : memref<1x1024xf32, #tpu.memory_space<vmem>> -> memref<1024xf32, #tpu.memory_space<vmem>>
      tpu.wait_dma2 semaphore(%arg9 : memref<!tpu.dma_semaphore, #tpu.memory_space<semaphore_mem>>) src(%dma_wait3A_911 : memref<1024xf32, #tpu.memory_space<vmem>>) dst(%dma_wait3A_908 : memref<1024xf32, #tpu.memory_space<hbm>>)
      %dma_wait3A_912 = arith.constant 21 : i32
      %dma_wait3A_913 = arith.constant 0 : i32
      %dma_wait3A_914 = tpu.memref_slice %arg7[%dma_wait3A_912, %dma_wait3A_913] : memref<32x1024xf32, #tpu.memory_space<vmem>> -> memref<1x1024xf32, #tpu.memory_space<vmem>>
      %dma_wait3A_915 = tpu.memref_squeeze %dma_wait3A_914 : memref<1x1024xf32, #tpu.memory_space<vmem>> -> memref<1024xf32, #tpu.memory_space<vmem>>
      %dma_wait3A_916 = tpu.memref_slice %arg4[%multiple_of3A_543] : memref<33554432xf32, #tpu.memory_space<hbm>> -> memref<1024xf32, #tpu.memory_space<hbm>>
      %dma_wait3A_917 = tpu.memref_slice %arg4[%multiple_of3A_543] : memref<33554432xf32, #tpu.memory_space<hbm>> -> memref<1024xf32, #tpu.memory_space<hbm>>
      %dma_wait3A_918 = arith.constant 0 : i32
      %dma_wait3A_919 = tpu.memref_slice %arg7[%dma_wait3A_912, %dma_wait3A_918] : memref<32x1024xf32, #tpu.memory_space<vmem>> -> memref<1x1024xf32, #tpu.memory_space<vmem>>
      %dma_wait3A_920 = tpu.memref_squeeze %dma_wait3A_919 : memref<1x1024xf32, #tpu.memory_space<vmem>> -> memref<1024xf32, #tpu.memory_space<vmem>>
      tpu.wait_dma2 semaphore(%arg9 : memref<!tpu.dma_semaphore, #tpu.memory_space<semaphore_mem>>) src(%dma_wait3A_920 : memref<1024xf32, #tpu.memory_space<vmem>>) dst(%dma_wait3A_917 : memref<1024xf32, #tpu.memory_space<hbm>>)
      %dma_wait3A_921 = arith.constant 22 : i32
      %dma_wait3A_922 = arith.constant 0 : i32
      %dma_wait3A_923 = tpu.memref_slice %arg7[%dma_wait3A_921, %dma_wait3A_922] : memref<32x1024xf32, #tpu.memory_space<vmem>> -> memref<1x1024xf32, #tpu.memory_space<vmem>>
      %dma_wait3A_924 = tpu.memref_squeeze %dma_wait3A_923 : memref<1x1024xf32, #tpu.memory_space<vmem>> -> memref<1024xf32, #tpu.memory_space<vmem>>
      %dma_wait3A_925 = tpu.memref_slice %arg4[%multiple_of3A_560] : memref<33554432xf32, #tpu.memory_space<hbm>> -> memref<1024xf32, #tpu.memory_space<hbm>>
      %dma_wait3A_926 = tpu.memref_slice %arg4[%multiple_of3A_560] : memref<33554432xf32, #tpu.memory_space<hbm>> -> memref<1024xf32, #tpu.memory_space<hbm>>
      %dma_wait3A_927 = arith.constant 0 : i32
      %dma_wait3A_928 = tpu.memref_slice %arg7[%dma_wait3A_921, %dma_wait3A_927] : memref<32x1024xf32, #tpu.memory_space<vmem>> -> memref<1x1024xf32, #tpu.memory_space<vmem>>
      %dma_wait3A_929 = tpu.memref_squeeze %dma_wait3A_928 : memref<1x1024xf32, #tpu.memory_space<vmem>> -> memref<1024xf32, #tpu.memory_space<vmem>>
      tpu.wait_dma2 semaphore(%arg9 : memref<!tpu.dma_semaphore, #tpu.memory_space<semaphore_mem>>) src(%dma_wait3A_929 : memref<1024xf32, #tpu.memory_space<vmem>>) dst(%dma_wait3A_926 : memref<1024xf32, #tpu.memory_space<hbm>>)
      %dma_wait3A_930 = arith.constant 23 : i32
      %dma_wait3A_931 = arith.constant 0 : i32
      %dma_wait3A_932 = tpu.memref_slice %arg7[%dma_wait3A_930, %dma_wait3A_931] : memref<32x1024xf32, #tpu.memory_space<vmem>> -> memref<1x1024xf32, #tpu.memory_space<vmem>>
      %dma_wait3A_933 = tpu.memref_squeeze %dma_wait3A_932 : memref<1x1024xf32, #tpu.memory_space<vmem>> -> memref<1024xf32, #tpu.memory_space<vmem>>
      %dma_wait3A_934 = tpu.memref_slice %arg4[%multiple_of3A_577] : memref<33554432xf32, #tpu.memory_space<hbm>> -> memref<1024xf32, #tpu.memory_space<hbm>>
      %dma_wait3A_935 = tpu.memref_slice %arg4[%multiple_of3A_577] : memref<33554432xf32, #tpu.memory_space<hbm>> -> memref<1024xf32, #tpu.memory_space<hbm>>
      %dma_wait3A_936 = arith.constant 0 : i32
      %dma_wait3A_937 = tpu.memref_slice %arg7[%dma_wait3A_930, %dma_wait3A_936] : memref<32x1024xf32, #tpu.memory_space<vmem>> -> memref<1x1024xf32, #tpu.memory_space<vmem>>
      %dma_wait3A_938 = tpu.memref_squeeze %dma_wait3A_937 : memref<1x1024xf32, #tpu.memory_space<vmem>> -> memref<1024xf32, #tpu.memory_space<vmem>>
      tpu.wait_dma2 semaphore(%arg9 : memref<!tpu.dma_semaphore, #tpu.memory_space<semaphore_mem>>) src(%dma_wait3A_938 : memref<1024xf32, #tpu.memory_space<vmem>>) dst(%dma_wait3A_935 : memref<1024xf32, #tpu.memory_space<hbm>>)
      %dma_wait3A_939 = arith.constant 24 : i32
      %dma_wait3A_940 = arith.constant 0 : i32
      %dma_wait3A_941 = tpu.memref_slice %arg7[%dma_wait3A_939, %dma_wait3A_940] : memref<32x1024xf32, #tpu.memory_space<vmem>> -> memref<1x1024xf32, #tpu.memory_space<vmem>>
      %dma_wait3A_942 = tpu.memref_squeeze %dma_wait3A_941 : memref<1x1024xf32, #tpu.memory_space<vmem>> -> memref<1024xf32, #tpu.memory_space<vmem>>
      %dma_wait3A_943 = tpu.memref_slice %arg4[%multiple_of3A_594] : memref<33554432xf32, #tpu.memory_space<hbm>> -> memref<1024xf32, #tpu.memory_space<hbm>>
      %dma_wait3A_944 = tpu.memref_slice %arg4[%multiple_of3A_594] : memref<33554432xf32, #tpu.memory_space<hbm>> -> memref<1024xf32, #tpu.memory_space<hbm>>
      %dma_wait3A_945 = arith.constant 0 : i32
      %dma_wait3A_946 = tpu.memref_slice %arg7[%dma_wait3A_939, %dma_wait3A_945] : memref<32x1024xf32, #tpu.memory_space<vmem>> -> memref<1x1024xf32, #tpu.memory_space<vmem>>
      %dma_wait3A_947 = tpu.memref_squeeze %dma_wait3A_946 : memref<1x1024xf32, #tpu.memory_space<vmem>> -> memref<1024xf32, #tpu.memory_space<vmem>>
      tpu.wait_dma2 semaphore(%arg9 : memref<!tpu.dma_semaphore, #tpu.memory_space<semaphore_mem>>) src(%dma_wait3A_947 : memref<1024xf32, #tpu.memory_space<vmem>>) dst(%dma_wait3A_944 : memref<1024xf32, #tpu.memory_space<hbm>>)
      %dma_wait3A_948 = arith.constant 25 : i32
      %dma_wait3A_949 = arith.constant 0 : i32
      %dma_wait3A_950 = tpu.memref_slice %arg7[%dma_wait3A_948, %dma_wait3A_949] : memref<32x1024xf32, #tpu.memory_space<vmem>> -> memref<1x1024xf32, #tpu.memory_space<vmem>>
      %dma_wait3A_951 = tpu.memref_squeeze %dma_wait3A_950 : memref<1x1024xf32, #tpu.memory_space<vmem>> -> memref<1024xf32, #tpu.memory_space<vmem>>
      %dma_wait3A_952 = tpu.memref_slice %arg4[%multiple_of3A_611] : memref<33554432xf32, #tpu.memory_space<hbm>> -> memref<1024xf32, #tpu.memory_space<hbm>>
      %dma_wait3A_953 = tpu.memref_slice %arg4[%multiple_of3A_611] : memref<33554432xf32, #tpu.memory_space<hbm>> -> memref<1024xf32, #tpu.memory_space<hbm>>
      %dma_wait3A_954 = arith.constant 0 : i32
      %dma_wait3A_955 = tpu.memref_slice %arg7[%dma_wait3A_948, %dma_wait3A_954] : memref<32x1024xf32, #tpu.memory_space<vmem>> -> memref<1x1024xf32, #tpu.memory_space<vmem>>
      %dma_wait3A_956 = tpu.memref_squeeze %dma_wait3A_955 : memref<1x1024xf32, #tpu.memory_space<vmem>> -> memref<1024xf32, #tpu.memory_space<vmem>>
      tpu.wait_dma2 semaphore(%arg9 : memref<!tpu.dma_semaphore, #tpu.memory_space<semaphore_mem>>) src(%dma_wait3A_956 : memref<1024xf32, #tpu.memory_space<vmem>>) dst(%dma_wait3A_953 : memref<1024xf32, #tpu.memory_space<hbm>>)
      %dma_wait3A_957 = arith.constant 26 : i32
      %dma_wait3A_958 = arith.constant 0 : i32
      %dma_wait3A_959 = tpu.memref_slice %arg7[%dma_wait3A_957, %dma_wait3A_958] : memref<32x1024xf32, #tpu.memory_space<vmem>> -> memref<1x1024xf32, #tpu.memory_space<vmem>>
      %dma_wait3A_960 = tpu.memref_squeeze %dma_wait3A_959 : memref<1x1024xf32, #tpu.memory_space<vmem>> -> memref<1024xf32, #tpu.memory_space<vmem>>
      %dma_wait3A_961 = tpu.memref_slice %arg4[%multiple_of3A_628] : memref<33554432xf32, #tpu.memory_space<hbm>> -> memref<1024xf32, #tpu.memory_space<hbm>>
      %dma_wait3A_962 = tpu.memref_slice %arg4[%multiple_of3A_628] : memref<33554432xf32, #tpu.memory_space<hbm>> -> memref<1024xf32, #tpu.memory_space<hbm>>
      %dma_wait3A_963 = arith.constant 0 : i32
      %dma_wait3A_964 = tpu.memref_slice %arg7[%dma_wait3A_957, %dma_wait3A_963] : memref<32x1024xf32, #tpu.memory_space<vmem>> -> memref<1x1024xf32, #tpu.memory_space<vmem>>
      %dma_wait3A_965 = tpu.memref_squeeze %dma_wait3A_964 : memref<1x1024xf32, #tpu.memory_space<vmem>> -> memref<1024xf32, #tpu.memory_space<vmem>>
      tpu.wait_dma2 semaphore(%arg9 : memref<!tpu.dma_semaphore, #tpu.memory_space<semaphore_mem>>) src(%dma_wait3A_965 : memref<1024xf32, #tpu.memory_space<vmem>>) dst(%dma_wait3A_962 : memref<1024xf32, #tpu.memory_space<hbm>>)
      %dma_wait3A_966 = arith.constant 27 : i32
      %dma_wait3A_967 = arith.constant 0 : i32
      %dma_wait3A_968 = tpu.memref_slice %arg7[%dma_wait3A_966, %dma_wait3A_967] : memref<32x1024xf32, #tpu.memory_space<vmem>> -> memref<1x1024xf32, #tpu.memory_space<vmem>>
      %dma_wait3A_969 = tpu.memref_squeeze %dma_wait3A_968 : memref<1x1024xf32, #tpu.memory_space<vmem>> -> memref<1024xf32, #tpu.memory_space<vmem>>
      %dma_wait3A_970 = tpu.memref_slice %arg4[%multiple_of3A_645] : memref<33554432xf32, #tpu.memory_space<hbm>> -> memref<1024xf32, #tpu.memory_space<hbm>>
      %dma_wait3A_971 = tpu.memref_slice %arg4[%multiple_of3A_645] : memref<33554432xf32, #tpu.memory_space<hbm>> -> memref<1024xf32, #tpu.memory_space<hbm>>
      %dma_wait3A_972 = arith.constant 0 : i32
      %dma_wait3A_973 = tpu.memref_slice %arg7[%dma_wait3A_966, %dma_wait3A_972] : memref<32x1024xf32, #tpu.memory_space<vmem>> -> memref<1x1024xf32, #tpu.memory_space<vmem>>
      %dma_wait3A_974 = tpu.memref_squeeze %dma_wait3A_973 : memref<1x1024xf32, #tpu.memory_space<vmem>> -> memref<1024xf32, #tpu.memory_space<vmem>>
      tpu.wait_dma2 semaphore(%arg9 : memref<!tpu.dma_semaphore, #tpu.memory_space<semaphore_mem>>) src(%dma_wait3A_974 : memref<1024xf32, #tpu.memory_space<vmem>>) dst(%dma_wait3A_971 : memref<1024xf32, #tpu.memory_space<hbm>>)
      %dma_wait3A_975 = arith.constant 28 : i32
      %dma_wait3A_976 = arith.constant 0 : i32
      %dma_wait3A_977 = tpu.memref_slice %arg7[%dma_wait3A_975, %dma_wait3A_976] : memref<32x1024xf32, #tpu.memory_space<vmem>> -> memref<1x1024xf32, #tpu.memory_space<vmem>>
      %dma_wait3A_978 = tpu.memref_squeeze %dma_wait3A_977 : memref<1x1024xf32, #tpu.memory_space<vmem>> -> memref<1024xf32, #tpu.memory_space<vmem>>
      %dma_wait3A_979 = tpu.memref_slice %arg4[%multiple_of3A_662] : memref<33554432xf32, #tpu.memory_space<hbm>> -> memref<1024xf32, #tpu.memory_space<hbm>>
      %dma_wait3A_980 = tpu.memref_slice %arg4[%multiple_of3A_662] : memref<33554432xf32, #tpu.memory_space<hbm>> -> memref<1024xf32, #tpu.memory_space<hbm>>
      %dma_wait3A_981 = arith.constant 0 : i32
      %dma_wait3A_982 = tpu.memref_slice %arg7[%dma_wait3A_975, %dma_wait3A_981] : memref<32x1024xf32, #tpu.memory_space<vmem>> -> memref<1x1024xf32, #tpu.memory_space<vmem>>
      %dma_wait3A_983 = tpu.memref_squeeze %dma_wait3A_982 : memref<1x1024xf32, #tpu.memory_space<vmem>> -> memref<1024xf32, #tpu.memory_space<vmem>>
      tpu.wait_dma2 semaphore(%arg9 : memref<!tpu.dma_semaphore, #tpu.memory_space<semaphore_mem>>) src(%dma_wait3A_983 : memref<1024xf32, #tpu.memory_space<vmem>>) dst(%dma_wait3A_980 : memref<1024xf32, #tpu.memory_space<hbm>>)
      %dma_wait3A_984 = arith.constant 29 : i32
      %dma_wait3A_985 = arith.constant 0 : i32
      %dma_wait3A_986 = tpu.memref_slice %arg7[%dma_wait3A_984, %dma_wait3A_985] : memref<32x1024xf32, #tpu.memory_space<vmem>> -> memref<1x1024xf32, #tpu.memory_space<vmem>>
      %dma_wait3A_987 = tpu.memref_squeeze %dma_wait3A_986 : memref<1x1024xf32, #tpu.memory_space<vmem>> -> memref<1024xf32, #tpu.memory_space<vmem>>
      %dma_wait3A_988 = tpu.memref_slice %arg4[%multiple_of3A_679] : memref<33554432xf32, #tpu.memory_space<hbm>> -> memref<1024xf32, #tpu.memory_space<hbm>>
      %dma_wait3A_989 = tpu.memref_slice %arg4[%multiple_of3A_679] : memref<33554432xf32, #tpu.memory_space<hbm>> -> memref<1024xf32, #tpu.memory_space<hbm>>
      %dma_wait3A_990 = arith.constant 0 : i32
      %dma_wait3A_991 = tpu.memref_slice %arg7[%dma_wait3A_984, %dma_wait3A_990] : memref<32x1024xf32, #tpu.memory_space<vmem>> -> memref<1x1024xf32, #tpu.memory_space<vmem>>
      %dma_wait3A_992 = tpu.memref_squeeze %dma_wait3A_991 : memref<1x1024xf32, #tpu.memory_space<vmem>> -> memref<1024xf32, #tpu.memory_space<vmem>>
      tpu.wait_dma2 semaphore(%arg9 : memref<!tpu.dma_semaphore, #tpu.memory_space<semaphore_mem>>) src(%dma_wait3A_992 : memref<1024xf32, #tpu.memory_space<vmem>>) dst(%dma_wait3A_989 : memref<1024xf32, #tpu.memory_space<hbm>>)
      %dma_wait3A_993 = arith.constant 30 : i32
      %dma_wait3A_994 = arith.constant 0 : i32
      %dma_wait3A_995 = tpu.memref_slice %arg7[%dma_wait3A_993, %dma_wait3A_994] : memref<32x1024xf32, #tpu.memory_space<vmem>> -> memref<1x1024xf32, #tpu.memory_space<vmem>>
      %dma_wait3A_996 = tpu.memref_squeeze %dma_wait3A_995 : memref<1x1024xf32, #tpu.memory_space<vmem>> -> memref<1024xf32, #tpu.memory_space<vmem>>
      %dma_wait3A_997 = tpu.memref_slice %arg4[%multiple_of3A_696] : memref<33554432xf32, #tpu.memory_space<hbm>> -> memref<1024xf32, #tpu.memory_space<hbm>>
      %dma_wait3A_998 = tpu.memref_slice %arg4[%multiple_of3A_696] : memref<33554432xf32, #tpu.memory_space<hbm>> -> memref<1024xf32, #tpu.memory_space<hbm>>
      %dma_wait3A_999 = arith.constant 0 : i32
      %dma_wait3A_1000 = tpu.memref_slice %arg7[%dma_wait3A_993, %dma_wait3A_999] : memref<32x1024xf32, #tpu.memory_space<vmem>> -> memref<1x1024xf32, #tpu.memory_space<vmem>>
      %dma_wait3A_1001 = tpu.memref_squeeze %dma_wait3A_1000 : memref<1x1024xf32, #tpu.memory_space<vmem>> -> memref<1024xf32, #tpu.memory_space<vmem>>
      tpu.wait_dma2 semaphore(%arg9 : memref<!tpu.dma_semaphore, #tpu.memory_space<semaphore_mem>>) src(%dma_wait3A_1001 : memref<1024xf32, #tpu.memory_space<vmem>>) dst(%dma_wait3A_998 : memref<1024xf32, #tpu.memory_space<hbm>>)
      %dma_wait3A_1002 = arith.constant 31 : i32
      %dma_wait3A_1003 = arith.constant 0 : i32
      %dma_wait3A_1004 = tpu.memref_slice %arg7[%dma_wait3A_1002, %dma_wait3A_1003] : memref<32x1024xf32, #tpu.memory_space<vmem>> -> memref<1x1024xf32, #tpu.memory_space<vmem>>
      %dma_wait3A_1005 = tpu.memref_squeeze %dma_wait3A_1004 : memref<1x1024xf32, #tpu.memory_space<vmem>> -> memref<1024xf32, #tpu.memory_space<vmem>>
      %dma_wait3A_1006 = tpu.memref_slice %arg4[%multiple_of3A_713] : memref<33554432xf32, #tpu.memory_space<hbm>> -> memref<1024xf32, #tpu.memory_space<hbm>>
      %dma_wait3A_1007 = tpu.memref_slice %arg4[%multiple_of3A_713] : memref<33554432xf32, #tpu.memory_space<hbm>> -> memref<1024xf32, #tpu.memory_space<hbm>>
      %dma_wait3A_1008 = arith.constant 0 : i32
      %dma_wait3A_1009 = tpu.memref_slice %arg7[%dma_wait3A_1002, %dma_wait3A_1008] : memref<32x1024xf32, #tpu.memory_space<vmem>> -> memref<1x1024xf32, #tpu.memory_space<vmem>>
      %dma_wait3A_1010 = tpu.memref_squeeze %dma_wait3A_1009 : memref<1x1024xf32, #tpu.memory_space<vmem>> -> memref<1024xf32, #tpu.memory_space<vmem>>
      tpu.wait_dma2 semaphore(%arg9 : memref<!tpu.dma_semaphore, #tpu.memory_space<semaphore_mem>>) src(%dma_wait3A_1010 : memref<1024xf32, #tpu.memory_space<vmem>>) dst(%dma_wait3A_1007 : memref<1024xf32, #tpu.memory_space<hbm>>)
    }
    %scan3A_5 = arith.constant 32 : i32
    return
  }
}

</mosaic_0001>

<sc_bundles>
// kernel: kernel.3.cloned.1.call-start
scs
__scs_entry_jumppad:
0x0: {  	(pc) =	sbr.rel $0x88, $3  }
0x1: {  	(tag) =	ssettag $0x0;
	lr =	simm.s32 $0x1  }
0x2: {  	[smem:$0x3F9F] =	sst lr;
	_ =	strace $0xD0000000  }
0x3: {  	_ = 	snop  }
0x4: {  	_ = 	snop  }
0x5: {  	_ = 	snop  }
0x6: {  	_ = 	snop  }
0x7: {  	_ = 	snop  }
__scs_overlays_trampoline_lowered:
0x8: {  	[smem:$0x3FAE] =	sst s0  }
0x9: {  	[smem:$0x3FAF] =	sst s1  }
0xa: {  	[smem:$0x3FB0] =	sst s2  }
0xb: {  	[smem:$0x3FB1] =	sst s3  }
0xc: {  	[smem:$0x3FB2] =	sst s4  }
0xd: {  	[smem:$0x3FB3] =	sst s5  }
0xe: {  	[smem:$0x3FB4] =	sst s6  }
0xf: {  	[smem:$0x3FB5] =	sst s7  }
0x10: {  	[smem:$0x3FB6] =	sst s8  }
0x11: {  	[smem:$0x3FB7] =	sst s9;
	s0 =	simm.s32 @!p0 $0x0  }
0x12: {  	s1 =	sld [smem:$0x3F9D];
	s0 =	simm.s32 @p0 $0x1  }
0x13: {  	[smem:$0x3FB8] =	sst s0;
	s0 =	simm.s32 @!p1 $0x0  }
0x14: {  	s2 =	sld [smem:$0x3F9C];
	s0 =	simm.s32 @p1 $0x1  }
0x15: {  	[smem:$0x3FB9] =	sst s0;
	s0 =	simm.s32 @!p2 $0x0  }
0x16: {  	s3 =	sld [smem:$0x3FDB];
	s0 =	simm.s32 @p2 $0x1  }
0x17: {  	s4 =	simm.s32 $0x1BF5;
	[smem:$0x3FBB] =	sst s0  }
0x18: {  	s0 =	sld [smem:$0x3F9E];
	_ =	swait.ge [sflag:s4], $0x0  }
0x19: {  	s7 =	sld [smem:$0x3F9F]  }
0x1a: {  	s8 =	sadd.s32 $0xFFFFE003, lr  }
0x1b: {  	s9 =	sadd.s32 $0xFFFFFEF7, lr;
	s5 =	simm.s32 $0xFFFFFFFF;
	p2 =	slt.u32 s8, $0xFFFFF086  }
0x1c: {  	p1 =	slt.u32 s9, $0xF7A;
	s5 =	simm.s32 @!p2 $0x0  }
0x1d: {  	s5 =	simm.s32 @p1 $0x1;
	p0 =	seq.s32 s7, s2  }
0x1e: {  	s7 =	smul.u32 @!p0 $0xF7A, s2;
	p2 =	seq.s32 @!p0 s5, $0x0  }
0x1f: {  	s9 =	smul.u32 $0xF7A, s1;
	s8 =	simm.s32 @!p0 $0x1BF5;
	p2 =	por !p2, p0  }
0x20: {  	[sflag:s8] =	ssyncset.s32 @!p0 $0xFFFFF086;
	s6 =	sadd.s32 @!p0 s3, s7;
	s7 =	simm.s32 @!p0 $0x108  }
0x21: {  	s3 =	sadd.s32 s3, s9;
	s6 =	sadd.s32 @!p0 $0x88, s6;
	s7 =	simm.s32 @p2 $0x1082  }
0x22: {  	[simem:s7], [sflag:s8] =	dma.local @!p0 [hbm:s6], $0xF7A  }
0x23: {  	s9 =	sor.u32 $0xD0000000, s2;
	s6 =	simm.s32 $0x108;
	_ =	swait.ge @!p0 [sflag:s8], $0x0  }
0x24: {  	s3 =	sadd.s32 $0x88, s3;
	s6 =	simm.s32 @!p1 $0x1082;
	[sflag:s4] =	ssyncset.s32 $0xFFFFF086  }
0x25: {  	[simem:s6], [sflag:s4] =	dma.local [hbm:s3], $0xF7A  }
0x26: {  	[smem:$0x3F9F] =	sst s1;
	(tag) =	ssettag s2;
	_ =	strace s9  }
0x27: {  	s1 =	sld [smem:$0x3FAF]  }
0x28: {  	s2 =	sld [smem:$0x3FB0]  }
0x29: {  	s4 =	sld [smem:$0x3FB2]  }
0x2a: {  	p0 =	seq.s32 s5, $0x0;
	s5 =	sld [smem:$0x3FB3]  }
0x2b: {  	s6 =	sld [smem:$0x3FB4]  }
0x2c: {  	s7 =	sld [smem:$0x3FB5]  }
0x2d: {  	s3 =	simm.s32 $0x108;
	s8 =	sld [smem:$0x3FB6]  }
0x2e: {  	s3 =	simm.s32 @!p0 $0x1082;
	s9 =	sld [smem:$0x3FB7]  }
0x2f: {  	lr =	sadd.s32 s0, s3;
	s0 =	sld [smem:$0x3FAE]  }
0x30: {  	s3 =	sld [smem:$0x3FB1]  }
0x31: {  	[smem:$0x3FBA] =	sst s10  }
0x32: {  	s10 =	sld [smem:$0x3FB8];
	_ =	sdelay $0x3  }
0x33: {  	p0 =	seq.s32 s10, $0x1;
	s10 =	sld [smem:$0x3FBA];
	_ =	sdelay $0x3  }
0x34: {  	[smem:$0x3FBA] =	sst s10  }
0x35: {  	s10 =	sld [smem:$0x3FB9];
	_ =	sdelay $0x3  }
0x36: {  	p1 =	seq.s32 s10, $0x1;
	s10 =	sld [smem:$0x3FBA];
	_ =	sdelay $0x3  }
0x37: {  	[smem:$0x3FBA] =	sst s10  }
0x38: {  	s10 =	sld [smem:$0x3FBB]  }
0x39: {  	_ = 	snop;
	(pc) =	sbr.ind lr, $3  }
0x3a: {  	_ = 	snop  }
0x3b: {  	_ = 	snop  }
0x3c: {  	p2 =	seq.s32 s10, $0x1;
	s10 =	sld [smem:$0x3FBA]  }
0x3d: {  	_ =	shalt  }
0x3e: {  	_ =	shalt  }
0x3f: {  	_ =	shalt  }
0x40: {  	_ =	shalt  }
0x41: {  	_ =	shalt  }
0x42: {  	_ =	shalt  }
0x43: {  	_ =	shalt  }
0x44: {  	_ =	shalt  }
0x45: {  	_ =	shalt  }
0x46: {  	_ =	shalt  }
0x47: {  	_ =	shalt  }
0x48: {  	_ =	shalt  }
0x49: {  	_ =	shalt  }
0x4a: {  	_ =	shalt  }
0x4b: {  	_ =	shalt  }
0x4c: {  	_ =	shalt  }
0x4d: {  	_ =	shalt  }
0x4e: {  	_ =	shalt  }
0x4f: {  	_ =	shalt  }
0x50: {  	_ =	shalt  }
0x51: {  	_ =	shalt  }
0x52: {  	_ =	shalt  }
0x53: {  	_ =	shalt  }
0x54: {  	_ =	shalt  }
0x55: {  	_ =	shalt  }
0x56: {  	_ =	shalt  }
0x57: {  	_ =	shalt  }
0x58: {  	_ =	shalt  }
0x59: {  	_ =	shalt  }
0x5a: {  	_ =	shalt  }
0x5b: {  	_ =	shalt  }
0x5c: {  	_ =	shalt  }
0x5d: {  	_ =	shalt  }
0x5e: {  	_ =	shalt  }
0x5f: {  	_ =	shalt  }
0x60: {  	_ =	shalt  }
0x61: {  	_ =	shalt  }
0x62: {  	_ =	shalt  }
0x63: {  	_ =	shalt  }
0x64: {  	_ =	shalt  }
0x65: {  	_ =	shalt  }
0x66: {  	_ =	shalt  }
0x67: {  	_ =	shalt  }
0x68: {  	_ =	shalt  }
0x69: {  	_ =	shalt  }
0x6a: {  	_ =	shalt  }
0x6b: {  	_ =	shalt  }
0x6c: {  	_ =	shalt  }
0x6d: {  	_ =	shalt  }
0x6e: {  	_ =	shalt  }
0x6f: {  	_ =	shalt  }
0x70: {  	_ =	shalt  }
0x71: {  	_ =	shalt  }
0x72: {  	_ =	shalt  }
0x73: {  	_ =	shalt  }
0x74: {  	_ =	shalt  }
0x75: {  	_ =	shalt  }
0x76: {  	_ =	shalt  }
0x77: {  	_ =	shalt  }
0x78: {  	_ =	shalt  }
0x79: {  	_ =	shalt  }
0x7a: {  	_ =	shalt  }
0x7b: {  	_ =	shalt  }
0x7c: {  	_ =	shalt  }
0x7d: {  	_ =	shalt  }
0x7e: {  	_ =	shalt  }
0x7f: {  	_ =	shalt  }
0x80: {  	_ =	shalt  }
0x81: {  	_ =	shalt  }
0x82: {  	_ =	shalt  }
0x83: {  	_ =	shalt  }
0x84: {  	_ =	shalt  }
0x85: {  	_ =	shalt  }
0x86: {  	_ =	shalt  }
0x87: {  	_ =	shalt  }
.Lfunc_end0:
.L_simem_size_0:
called_computation_lowered:
.L_overlay_start_0:
0x88: {  	s2 =	sld [smem:$0x3FD9]  }
0x89: {  	s3 =	sld [smem:$0x3FFE];
	_ =	sdelay $0x1  }
0x8a: {  	s1 =	srdreg.scid  }
0x8b: {  	s0 =	sand.u32 $0x1, s1  }
0x8c: {  	s16 =	sshll.u32 s0, $0xA;
	s2 =	sadd.s32 s3, s2  }
0x8d: {  	s2 =	sadd.s32 s2, s16  }
0x8e: {  	[smem:$0x3FC6] =	sst s2  }
0x8f: {  	_ = 	snop  }
0x90: {  	(tm) =	ssettm $0x1  }
0x91: {  	s17 =	sld [smem:$0x3FFB];
	_ =	sdelay $0x3  }
0x92: {  	_ =	strace s17  }
0x93: {  	s2 =	sld [smem:$0x3FFC];
	_ =	sdelay $0x3  }
0x94: {  	_ =	strace s2  }
0x95: {  	s2 =	sld [smem:$0x3FFD];
	_ =	sdelay $0x3  }
0x96: {  	_ =	strace s2  }
0x97: {  	_ =	strace $0x8FFFFFFF  }
0x98: {  	s18 =	sld [smem:$0x3FDB];
	_ =	sdelay $0x1  }
0x99: {  	s19 =	simm.s32 $_scs_section_size  }
0x9a: {  	s4 =	simm.s32 $_size__tile_overlayer_lowered;
	s5 =	simm.s32 $_tile_overlayer_lowered  }
0x9b: {  	s22 =	simm.s32 $0x1BFF;
	s21 =	sshll.u32 s5, $0x1;
	s2 =	sadd.s32 s19, s18  }
0x9c: {  	s6 =	simm.s32 $0x0;
	s20 =	sshll.u32 s4, $0x1;
	s4 =	sadd.s32 s21, s2  }
0x9d: {  	[timem:s6], [sflag:s22] =	dma.local [hbm:s4], s20  }
0x9e: {  	_ =	swait.ge [sflag:s22], s20  }
0x9f: {  	s3 =	ssub.s32 $0x0, s20;
	[sflag:s22] =	ssyncset.done $0x0  }
0xa0: {  	[sflag:s22] =	ssyncadd.s32 s3;
	_ =	sdelay $0x1  }
0xa1: {  	s23 =	simm.s32 $0x1B8B  }
0xa2: {  	_ =	swait.ge [sflag:s23], $0x1  }
0xa3: {  	[sflag:s23] =	ssyncset.done $0x0  }
0xa4: {  	s25 =	simm.s32 $0x1B8E;
	s24 =	sld [smem:$0x3FFE];
	[sflag:s23] =	ssyncadd.s32 $0xFFFFFFFF  }
0xa5: {  	s26 =	simm.s32 $execute0_lowered;
	[smem:$0x3FD2] =	sst s25  }
0xa6: {  	s4 =	sshll.u32 s26, $0x1;
	_ =	strace $0x80000046;
	[dreg:$0x1] =	wrdreg $0xFFFFFFFF  }
0xa7: {  	s28 =	simm.s32 $_size_execute0_lowered;
	s2 =	sadd.s32 s2, s4;
	[dreg:$0x0] =	wrdreg $0x0  }
0xa8: {  	s4 =	sshll.u32 s28, $0x1;
	[dreg:$0x2] =	wrdreg s2  }
0xa9: {  	[dreg:$0x3] =	wrdreg s4  }
0xaa: {  	[dreg:$0x4] =	wrdreg $0xC0  }
0xab: {  	_ =	task [dreg:s6], $0x5FFFF  }
0xac: {  	[dreg:$0x1] =	wrdreg $0xFFFFFFFF  }
0xad: {  	[dreg:$0x0] =	wrdreg $0x60  }
0xae: {  	[dreg:$0x2] =	wrdreg s24  }
0xaf: {  	[dreg:$0x3] =	wrdreg $0x9  }
0xb0: {  	_ =	task.clear_ibuf [dreg:s6], $0x4FFFF;
	_ =	strace $0x90000046  }
0xb1: {  	s29 =	simm.s32 $0x9;
	_ =	strace $0x80000048  }
0xb2: {  	_ =	swait.ge [sflag:s29], $0x1  }
0xb3: {  	[sflag:s29] =	ssyncadd.s32 $0xFFFFFFFF  }
0xb4: {  	_ =	strace $0x90000048  }
0xb5: {  	_ =	sfence  }
0xb6: {  	s30 =	sld [smem:$0x0];
	_ =	sdelay $0x2  }
0xb7: {  	s31 =	sshll.u32 s1, $0xD;
	s1 =	sshrl.u32 s1, $0x2  }
0xb8: {  	s3 =	sand.u32 $0x4000, s31;
	s1 =	sadd.s32 s1, s30  }
0xb9: {  	s0 =	sor.u32 s3, s0;
	s1 =	sshll.u32 s1, $0x11  }
0xba: {  	s0 =	sor.u32 s1, s0  }
0xbb: {  	s0 =	sadd.s32 $0x8F2B, s0  }
0xbc: {  	[sflag:s0] =	ssyncadd.remote.s32 $0x1  }
0xbd: {  	_ =	sfence.sel $0xFFFF  }
0xbe: {  	[dreg:$0x0] =	wrdreg $0xFFFFFFFF;
	(pc) =	sbr.abs _section_cstart, $3  }
0xbf: {  	[dreg:$0x1] =	wrdreg $0xFFFFFFFF  }
0xc0: {  	_ =	task.clear_ibuf [dreg:s6], $0x2FFFF;
	_ =	strace $0x9FFFFFFF  }
0xc1: {  	(tm) =	ssettm $0x7FFFFFFF  }
tec
execute0_lowered:
.L_overlay_start_1:
0x0: {  	(tag) =	ssettag $0x1  }
0x1: {  	s9 =	rddreg [dreg:$0x0];
	s1 =	simm.s32 $0x0  }
0x2: {  	s0 =	srdreg.scid;
	[smem:$0x7FF] =	sst s1;
	s2 =	sadd.s32 $0x400, s9  }
0x3: {  	s11 =	sadd.s32 $0x82000, s9;
	_ =	strace $0x80000047;
	[dreg:$0x2] =	wrdreg s2  }
0x4: {  	s6 =	stileid.u32;
	s14 =	sadd.s32 $0x8A000, s9;
	[dreg:$0x3] =	wrdreg s11  }
0x5: {  	s4 =	sadd.s32 $0x20400, s9;
	s15 =	sadd.s32 $0x92000, s9;
	[dreg:$0x6] =	wrdreg s14  }
0x6: {  	s0 =	sand.u32 $0x1, s0;
	s16 =	sadd.s32 $0x9A000, s9;
	[dreg:$0x7] =	wrdreg s15  }
0x7: {  	s5 =	sshll.u32 s6, $0x6;
	s17 =	sadd.s32 $0xA2000, s9;
	[dreg:$0x8] =	wrdreg s16  }
0x8: {  	s13 =	sshll.u32 s6, $0x12;
	s18 =	sadd.s32 $0xAA000, s9;
	[dreg:$0x9] =	wrdreg s17  }
0x9: {  	s19 =	sadd.s32 $0xB2000, s9;
	s20 =	sadd.s32 $0xBA000, s9;
	[dreg:$0xa] =	wrdreg s18  }
0xa: {  	s21 =	sadd.s32 $0xC2000, s9;
	s22 =	sadd.s32 $0xCA000, s9;
	[dreg:$0xb] =	wrdreg s19  }
0xb: {  	s23 =	sadd.s32 $0xD2000, s9;
	s24 =	sadd.s32 $0xDA000, s9;
	[dreg:$0xc] =	wrdreg s20  }
0xc: {  	s25 =	sadd.s32 $0xE2000, s9;
	s26 =	sadd.s32 $0xEA000, s9;
	[dreg:$0xd] =	wrdreg s21  }
0xd: {  	s28 =	sadd.s32 $0x122000, s9;
	s29 =	sadd.s32 $0x12A000, s9;
	[dreg:$0xe] =	wrdreg s22  }
0xe: {  	s30 =	sadd.s32 $0x132000, s9;
	s31 =	sadd.s32 $0x13A000, s9;
	[dreg:$0xf] =	wrdreg s23  }
0xf: {  	s6 =	sadd.s32 $0x162000, s9;
	s7 =	sadd.s32 $0x16A000, s9;
	[dreg:$0x10] =	wrdreg s24  }
0x10: {  	s8 =	sadd.s32 $0x172000, s9;
	s12 =	ssub.s32 $0x2, s0;
	[dreg:$0x11] =	wrdreg s25  }
0x11: {  	s0 =	sshll.u32 s0, $0x5;
	[dreg:$0x12] =	wrdreg s26;
	s21 =	sadd.s32 $0xF2000, s9  }
0x12: {  	s22 =	sadd.s32 $0xFA000, s9;
	s23 =	sadd.s32 $0x102000, s9;
	s24 =	sadd.s32 $0x10A000, s9  }
0x13: {  	s25 =	sadd.s32 $0x112000, s9;
	s26 =	sadd.s32 $0x11A000, s9;
	s2 =	sadd.s32 $0x14A000, s9  }
0x14: {  	s11 =	simm.s32 $0x80;
	s14 =	simm.s32 $0x2;
	s16 =	simm.s32 $0x0  }
0x15: {  	s3 =	sshrl.u32 s12, $0x1;
	s0 =	sor.u32 s0, s5;
	s5 =	sadd.s32 $0x15A000, s9  }
0x16: {  	s10 =	ssub.s32 s12, s3;
	[dreg:$0x4] =	wrdreg s0;
	s0 =	sand.u32 $0x300000, s13  }
0x17: {  	s3 =	sadd.s32 $0x152000, s9;
	s12 =	simm.s32 $0x400;
	s13 =	simm.s32 $0x1  }
0x18: {  	v0 =	vlaneseq.u32;
	[dreg:$0x5] =	wrdreg s0;
	s0 =	sadd.s32 $0x142000, s9;
	s10 =	smax.u32 s10, $0x1  }
0x19: {  	v0 =	vmul.u32 $0x20, v0;
	s9 =	sadd.s32 $0x17A000, s9;
	[dreg:$0x13] =	wrdreg s10;
	s10 =	simm.s32 $0x3  }
.LBB2_1:
0x1a: {  	[dreg:$0x14] =	wrdreg s16;
	s15 =	simm.s32 $0x0  }
.LBB2_2:
0x1b: {  	s16 =	rddreg [dreg:$0x4]  }
0x1c: {  	s16 =	sadd.s32 s16, s15  }
0x1d: {  	s17 =	rddreg [dreg:$0x2];
	s16 =	sshll.u32 s16, $0x7  }
0x1e: {  	s18 =	simm.s32 $0x0;
	s17 =	sadd.s32 s17, s16  }
0x1f: {  	[tilespmem:s18], [sflag:$0x3] =	stream.linear.gather [hbm4b:s17+s18], $0x400, $0x38;
	[tilespmem:$0x10400] =	vst v63  }
0x20: {  	_ =	swait.ge [sflag:s10], $0x400  }
0x21: {  	[sflag:s10] =	ssyncset.done $0x0  }
0x22: {  	[sflag:s10] =	ssyncadd.s32 $0xFFFFFC00  }
0x23: {  	[tilespmem:s12], [sflag:$0x1] =	stream.indirect.gather [hbm4b:s4+s11], $0x20, s18, s11, $0xb8;
	[tilespmem:$0x10400] =	vst v63  }
0x24: {  	s19 =	simm.s32 $0x1400  }
0x25: {  	[tilespmem:s19], [sflag:$0x1] =	stream.indirect.gather [hbm4b:s4+s11], $0x20, s11, s11, $0xb8;
	[tilespmem:$0x10400] =	vst v63  }
0x26: {  	s20 =	simm.s32 $0x100;
	s19 =	simm.s32 $0x2400  }
0x27: {  	[tilespmem:s19], [sflag:$0x1] =	stream.indirect.gather [hbm4b:s4+s11], $0x20, s20, s11, $0xb8;
	[tilespmem:$0x10400] =	vst v63  }
0x28: {  	s19 =	simm.s32 $0x180;
	s20 =	simm.s32 $0x3400  }
0x29: {  	[tilespmem:s20], [sflag:$0x1] =	stream.indirect.gather [hbm4b:s4+s11], $0x20, s19, s11, $0xb8;
	[tilespmem:$0x10400] =	vst v63  }
0x2a: {  	s19 =	simm.s32 $0x200;
	s20 =	simm.s32 $0x4400  }
0x2b: {  	[tilespmem:s20], [sflag:$0x1] =	stream.indirect.gather [hbm4b:s4+s11], $0x20, s19, s11, $0xb8;
	[tilespmem:$0x10400] =	vst v63  }
0x2c: {  	s19 =	simm.s32 $0x280;
	s20 =	simm.s32 $0x5400  }
0x2d: {  	[tilespmem:s20], [sflag:$0x1] =	stream.indirect.gather [hbm4b:s4+s11], $0x20, s19, s11, $0xb8;
	[tilespmem:$0x10400] =	vst v63  }
0x2e: {  	s19 =	simm.s32 $0x300;
	s20 =	simm.s32 $0x6400  }
0x2f: {  	[tilespmem:s20], [sflag:$0x1] =	stream.indirect.gather [hbm4b:s4+s11], $0x20, s19, s11, $0xb8;
	[tilespmem:$0x10400] =	vst v63  }
0x30: {  	s19 =	simm.s32 $0x380;
	s20 =	simm.s32 $0x7400  }
0x31: {  	[tilespmem:s20], [sflag:$0x1] =	stream.indirect.gather [hbm4b:s4+s11], $0x20, s19, s11, $0xb8;
	[tilespmem:$0x10400] =	vst v63  }
0x32: {  	_ =	swait.ge [sflag:s13], $0x1000  }
0x33: {  	[sflag:s13] =	ssyncset.done $0x0  }
0x34: {  	[sflag:s13] =	ssyncadd.s32 $0xFFFFF000  }
0x35: {  	_ =	swait.ge [sflag:s13], $0x1000  }
0x36: {  	[sflag:s13] =	ssyncset.done $0x0  }
0x37: {  	[sflag:s13] =	ssyncadd.s32 $0xFFFFF000  }
0x38: {  	_ =	swait.ge [sflag:s13], $0x1000  }
0x39: {  	[sflag:s13] =	ssyncset.done $0x0  }
0x3a: {  	[sflag:s13] =	ssyncadd.s32 $0xFFFFF000  }
0x3b: {  	_ =	swait.ge [sflag:s13], $0x1000  }
0x3c: {  	[sflag:s13] =	ssyncset.done $0x0  }
0x3d: {  	[sflag:s13] =	ssyncadd.s32 $0xFFFFF000  }
0x3e: {  	_ =	swait.ge [sflag:s13], $0x1000  }
0x3f: {  	[sflag:s13] =	ssyncset.done $0x0  }
0x40: {  	[sflag:s13] =	ssyncadd.s32 $0xFFFFF000  }
0x41: {  	_ =	swait.ge [sflag:s13], $0x1000  }
0x42: {  	[sflag:s13] =	ssyncset.done $0x0  }
0x43: {  	v1 =	vmov s18;
	[sflag:s13] =	ssyncadd.s32 $0xFFFFF000  }
0x44: {  	v1 =	vshll.u32 v1, $0x5;
	_ =	swait.ge [sflag:s13], $0x1000  }
0x45: {  	v1 =	vor.u32 v0, v1;
	[sflag:s13] =	ssyncset.done $0x0  }
0x46: {  	[sflag:s13] =	ssyncadd.s32 $0xFFFFF000  }
0x47: {  	_ =	swait.ge [sflag:s13], $0x1000  }
0x48: {  	[sflag:s13] =	ssyncset.done $0x0  }
0x49: {  	[sflag:s13] =	ssyncadd.s32 $0xFFFFF000  }
0x4a: {  	v2 =	vld.idx.msk [tilespmem:v1+s12+$0x0], $0xffff  }
0x4b: {  	v3 =	vor.u32 $0x1, v1;
	_ =	sdelay $0x2  }
0x4c: {  	s17 =	simm.s32 $0x0  }
0x4d: {  	[tilespmem:s17+$0x8400] =	vst v2  }
0x4e: {  	v2 =	vld.idx.msk [tilespmem:v3+s12+$0x0], $0xffff  }
0x4f: {  	v3 =	vor.u32 $0x2, v1;
	_ =	sdelay $0x3  }
0x50: {  	[tilespmem:s17+$0x8800] =	vst v2  }
0x51: {  	v2 =	vld.idx.msk [tilespmem:v3+s12+$0x0], $0xffff  }
0x52: {  	v3 =	vor.u32 $0x3, v1;
	_ =	sdelay $0x3  }
0x53: {  	[tilespmem:s17+$0x8C00] =	vst v2  }
0x54: {  	v2 =	vld.idx.msk [tilespmem:v3+s12+$0x0], $0xffff  }
0x55: {  	v3 =	vor.u32 $0x4, v1;
	_ =	sdelay $0x3  }
0x56: {  	[tilespmem:s17+$0x9000] =	vst v2  }
0x57: {  	v2 =	vld.idx.msk [tilespmem:v3+s12+$0x0], $0xffff  }
0x58: {  	v3 =	vor.u32 $0x5, v1;
	_ =	sdelay $0x3  }
0x59: {  	[tilespmem:s17+$0x9400] =	vst v2  }
0x5a: {  	v2 =	vld.idx.msk [tilespmem:v3+s12+$0x0], $0xffff  }
0x5b: {  	v3 =	vor.u32 $0x6, v1;
	_ =	sdelay $0x3  }
0x5c: {  	[tilespmem:s17+$0x9800] =	vst v2  }
0x5d: {  	v2 =	vld.idx.msk [tilespmem:v3+s12+$0x0], $0xffff  }
0x5e: {  	v3 =	vor.u32 $0x7, v1;
	_ =	sdelay $0x3  }
0x5f: {  	[tilespmem:s17+$0x9C00] =	vst v2  }
0x60: {  	v2 =	vld.idx.msk [tilespmem:v3+s12+$0x0], $0xffff  }
0x61: {  	v3 =	vor.u32 $0x8, v1;
	_ =	sdelay $0x3  }
0x62: {  	[tilespmem:s17+$0xA000] =	vst v2  }
0x63: {  	v2 =	vld.idx.msk [tilespmem:v3+s12+$0x0], $0xffff  }
0x64: {  	v3 =	vor.u32 $0x9, v1;
	_ =	sdelay $0x3  }
0x65: {  	[tilespmem:s17+$0xA400] =	vst v2  }
0x66: {  	v2 =	vld.idx.msk [tilespmem:v3+s12+$0x0], $0xffff  }
0x67: {  	v3 =	vor.u32 $0xA, v1;
	_ =	sdelay $0x3  }
0x68: {  	[tilespmem:s17+$0xA800] =	vst v2  }
0x69: {  	v2 =	vld.idx.msk [tilespmem:v3+s12+$0x0], $0xffff  }
0x6a: {  	v3 =	vor.u32 $0xB, v1;
	_ =	sdelay $0x3  }
0x6b: {  	[tilespmem:s17+$0xAC00] =	vst v2  }
0x6c: {  	v2 =	vld.idx.msk [tilespmem:v3+s12+$0x0], $0xffff  }
0x6d: {  	v3 =	vor.u32 $0xC, v1;
	_ =	sdelay $0x3  }
0x6e: {  	[tilespmem:s17+$0xB000] =	vst v2  }
0x6f: {  	v2 =	vld.idx.msk [tilespmem:v3+s12+$0x0], $0xffff  }
0x70: {  	v3 =	vor.u32 $0xD, v1;
	_ =	sdelay $0x3  }
0x71: {  	[tilespmem:s17+$0xB400] =	vst v2  }
0x72: {  	v2 =	vld.idx.msk [tilespmem:v3+s12+$0x0], $0xffff  }
0x73: {  	v3 =	vor.u32 $0xE, v1;
	_ =	sdelay $0x3  }
0x74: {  	[tilespmem:s17+$0xB800] =	vst v2  }
0x75: {  	v2 =	vld.idx.msk [tilespmem:v3+s12+$0x0], $0xffff  }
0x76: {  	v3 =	vor.u32 $0xF, v1;
	_ =	sdelay $0x3  }
0x77: {  	[tilespmem:s17+$0xBC00] =	vst v2  }
0x78: {  	v2 =	vld.idx.msk [tilespmem:v3+s12+$0x0], $0xffff  }
0x79: {  	v3 =	vor.u32 $0x10, v1;
	_ =	sdelay $0x3  }
0x7a: {  	[tilespmem:s17+$0xC000] =	vst v2  }
0x7b: {  	v2 =	vld.idx.msk [tilespmem:v3+s12+$0x0], $0xffff  }
0x7c: {  	v3 =	vor.u32 $0x11, v1;
	_ =	sdelay $0x3  }
0x7d: {  	[tilespmem:s17+$0xC400] =	vst v2  }
0x7e: {  	v2 =	vld.idx.msk [tilespmem:v3+s12+$0x0], $0xffff  }
0x7f: {  	v3 =	vor.u32 $0x12, v1;
	_ =	sdelay $0x3  }
0x80: {  	[tilespmem:s17+$0xC800] =	vst v2  }
0x81: {  	v2 =	vld.idx.msk [tilespmem:v3+s12+$0x0], $0xffff  }
0x82: {  	v3 =	vor.u32 $0x13, v1;
	_ =	sdelay $0x3  }
0x83: {  	[tilespmem:s17+$0xCC00] =	vst v2  }
0x84: {  	v2 =	vld.idx.msk [tilespmem:v3+s12+$0x0], $0xffff  }
0x85: {  	v3 =	vor.u32 $0x14, v1;
	_ =	sdelay $0x3  }
0x86: {  	[tilespmem:s17+$0xD000] =	vst v2  }
0x87: {  	v2 =	vld.idx.msk [tilespmem:v3+s12+$0x0], $0xffff  }
0x88: {  	v3 =	vor.u32 $0x15, v1;
	_ =	sdelay $0x3  }
0x89: {  	[tilespmem:s17+$0xD400] =	vst v2  }
0x8a: {  	v2 =	vld.idx.msk [tilespmem:v3+s12+$0x0], $0xffff  }
0x8b: {  	v3 =	vor.u32 $0x16, v1;
	_ =	sdelay $0x3  }
0x8c: {  	[tilespmem:s17+$0xD800] =	vst v2  }
0x8d: {  	v2 =	vld.idx.msk [tilespmem:v3+s12+$0x0], $0xffff  }
0x8e: {  	v3 =	vor.u32 $0x17, v1;
	_ =	sdelay $0x3  }
0x8f: {  	[tilespmem:s17+$0xDC00] =	vst v2  }
0x90: {  	v2 =	vld.idx.msk [tilespmem:v3+s12+$0x0], $0xffff  }
0x91: {  	v3 =	vor.u32 $0x18, v1;
	_ =	sdelay $0x3  }
0x92: {  	[tilespmem:s17+$0xE000] =	vst v2  }
0x93: {  	v2 =	vld.idx.msk [tilespmem:v3+s12+$0x0], $0xffff  }
0x94: {  	v3 =	vor.u32 $0x19, v1;
	_ =	sdelay $0x3  }
0x95: {  	[tilespmem:s17+$0xE400] =	vst v2  }
0x96: {  	v2 =	vld.idx.msk [tilespmem:v3+s12+$0x0], $0xffff  }
0x97: {  	v3 =	vor.u32 $0x1A, v1;
	_ =	sdelay $0x3  }
0x98: {  	[tilespmem:s17+$0xE800] =	vst v2  }
0x99: {  	v2 =	vld.idx.msk [tilespmem:v3+s12+$0x0], $0xffff  }
0x9a: {  	v3 =	vor.u32 $0x1B, v1;
	_ =	sdelay $0x3  }
0x9b: {  	[tilespmem:s17+$0xEC00] =	vst v2  }
0x9c: {  	v2 =	vld.idx.msk [tilespmem:v3+s12+$0x0], $0xffff  }
0x9d: {  	v3 =	vor.u32 $0x1C, v1;
	_ =	sdelay $0x3  }
0x9e: {  	[tilespmem:s17+$0xF000] =	vst v2  }
0x9f: {  	v2 =	vld.idx.msk [tilespmem:v3+s12+$0x0], $0xffff  }
0xa0: {  	v3 =	vor.u32 $0x1D, v1;
	_ =	sdelay $0x3  }
0xa1: {  	[tilespmem:s17+$0xF400] =	vst v2  }
0xa2: {  	v2 =	vld.idx.msk [tilespmem:v3+s12+$0x0], $0xffff  }
0xa3: {  	v3 =	vor.u32 $0x1E, v1;
	_ =	sdelay $0x3  }
0xa4: {  	[tilespmem:s17+$0xF800] =	vst v2  }
0xa5: {  	v2 =	vld.idx.msk [tilespmem:v3+s12+$0x0], $0xffff  }
0xa6: {  	v3 =	vor.u32 $0x1F, v1;
	_ =	sdelay $0x3  }
0xa7: {  	s19 =	simm.s32 $0x10;
	[tilespmem:s17+$0xFC00] =	vst v2  }
0xa8: {  	s18 =	simm.s32 $0x40;
	s20 =	simm.s32 $0x80;
	v1 =	vmov s19;
	v2 =	vld.idx.msk [tilespmem:v3+s12+$0x0], $0xffff  }
.LBB2_3:
0xa9: {  	p0 =	sne.s32 s20, $0xFC0;
	v1 =	vshll.u32 v1, $0x5  }
0xaa: {  	v1 =	vor.u32 v0, v1;
	_ =	sdelay $0x3  }
0xab: {  	[tilespmem:s17+$0x10000] =	vst v2  }
0xac: {  	v2 =	vld.idx.msk [tilespmem:v1+s12+$0x0], $0xffff;
	_ =	sdelay $0x1  }
0xad: {  	v3 =	vor.u32 $0x1, v1;
	_ =	sdelay $0x2  }
0xae: {  	s17 =	sshra.s32 s18, $0x2;
	s18 =	smov.u32 s20  }
0xaf: {  	[tilespmem:s17+$0x8400] =	vst v2  }
0xb0: {  	v2 =	vld.idx.msk [tilespmem:v3+s12+$0x0], $0xffff;
	_ =	sdelay $0x1  }
0xb1: {  	v3 =	vor.u32 $0x2, v1;
	_ =	sdelay $0x3  }
0xb2: {  	[tilespmem:s17+$0x8800] =	vst v2  }
0xb3: {  	v2 =	vld.idx.msk [tilespmem:v3+s12+$0x0], $0xffff;
	_ =	sdelay $0x1  }
0xb4: {  	v3 =	vor.u32 $0x3, v1;
	_ =	sdelay $0x3  }
0xb5: {  	[tilespmem:s17+$0x8C00] =	vst v2  }
0xb6: {  	v2 =	vld.idx.msk [tilespmem:v3+s12+$0x0], $0xffff;
	_ =	sdelay $0x1  }
0xb7: {  	v3 =	vor.u32 $0x4, v1;
	_ =	sdelay $0x3  }
0xb8: {  	[tilespmem:s17+$0x9000] =	vst v2  }
0xb9: {  	v2 =	vld.idx.msk [tilespmem:v3+s12+$0x0], $0xffff;
	_ =	sdelay $0x1  }
0xba: {  	v3 =	vor.u32 $0x5, v1;
	_ =	sdelay $0x3  }
0xbb: {  	[tilespmem:s17+$0x9400] =	vst v2  }
0xbc: {  	v2 =	vld.idx.msk [tilespmem:v3+s12+$0x0], $0xffff;
	_ =	sdelay $0x1  }
0xbd: {  	v3 =	vor.u32 $0x6, v1;
	_ =	sdelay $0x3  }
0xbe: {  	[tilespmem:s17+$0x9800] =	vst v2  }
0xbf: {  	v2 =	vld.idx.msk [tilespmem:v3+s12+$0x0], $0xffff;
	_ =	sdelay $0x1  }
0xc0: {  	v3 =	vor.u32 $0x7, v1;
	_ =	sdelay $0x3  }
0xc1: {  	[tilespmem:s17+$0x9C00] =	vst v2  }
0xc2: {  	v2 =	vld.idx.msk [tilespmem:v3+s12+$0x0], $0xffff;
	_ =	sdelay $0x1  }
0xc3: {  	v3 =	vor.u32 $0x8, v1;
	_ =	sdelay $0x3  }
0xc4: {  	[tilespmem:s17+$0xA000] =	vst v2  }
0xc5: {  	v2 =	vld.idx.msk [tilespmem:v3+s12+$0x0], $0xffff;
	_ =	sdelay $0x1  }
0xc6: {  	v3 =	vor.u32 $0x9, v1;
	_ =	sdelay $0x3  }
0xc7: {  	[tilespmem:s17+$0xA400] =	vst v2  }
0xc8: {  	v2 =	vld.idx.msk [tilespmem:v3+s12+$0x0], $0xffff;
	_ =	sdelay $0x1  }
0xc9: {  	v3 =	vor.u32 $0xA, v1;
	_ =	sdelay $0x3  }
0xca: {  	[tilespmem:s17+$0xA800] =	vst v2  }
0xcb: {  	v2 =	vld.idx.msk [tilespmem:v3+s12+$0x0], $0xffff;
	_ =	sdelay $0x1  }
0xcc: {  	v3 =	vor.u32 $0xB, v1;
	_ =	sdelay $0x3  }
0xcd: {  	[tilespmem:s17+$0xAC00] =	vst v2  }
0xce: {  	v2 =	vld.idx.msk [tilespmem:v3+s12+$0x0], $0xffff;
	_ =	sdelay $0x1  }
0xcf: {  	v3 =	vor.u32 $0xC, v1;
	_ =	sdelay $0x3  }
0xd0: {  	[tilespmem:s17+$0xB000] =	vst v2  }
0xd1: {  	v2 =	vld.idx.msk [tilespmem:v3+s12+$0x0], $0xffff;
	_ =	sdelay $0x1  }
0xd2: {  	v3 =	vor.u32 $0xD, v1;
	_ =	sdelay $0x3  }
0xd3: {  	[tilespmem:s17+$0xB400] =	vst v2  }
0xd4: {  	v2 =	vld.idx.msk [tilespmem:v3+s12+$0x0], $0xffff;
	_ =	sdelay $0x1  }
0xd5: {  	v3 =	vor.u32 $0xE, v1;
	_ =	sdelay $0x3  }
0xd6: {  	[tilespmem:s17+$0xB800] =	vst v2  }
0xd7: {  	v2 =	vld.idx.msk [tilespmem:v3+s12+$0x0], $0xffff;
	_ =	sdelay $0x1  }
0xd8: {  	v3 =	vor.u32 $0xF, v1;
	_ =	sdelay $0x3  }
0xd9: {  	[tilespmem:s17+$0xBC00] =	vst v2  }
0xda: {  	v2 =	vld.idx.msk [tilespmem:v3+s12+$0x0], $0xffff;
	_ =	sdelay $0x1  }
0xdb: {  	v3 =	vor.u32 $0x10, v1;
	_ =	sdelay $0x3  }
0xdc: {  	[tilespmem:s17+$0xC000] =	vst v2  }
0xdd: {  	v2 =	vld.idx.msk [tilespmem:v3+s12+$0x0], $0xffff;
	_ =	sdelay $0x1  }
0xde: {  	v3 =	vor.u32 $0x11, v1;
	_ =	sdelay $0x3  }
0xdf: {  	[tilespmem:s17+$0xC400] =	vst v2  }
0xe0: {  	v2 =	vld.idx.msk [tilespmem:v3+s12+$0x0], $0xffff;
	_ =	sdelay $0x1  }
0xe1: {  	v3 =	vor.u32 $0x12, v1;
	_ =	sdelay $0x3  }
0xe2: {  	[tilespmem:s17+$0xC800] =	vst v2  }
0xe3: {  	v2 =	vld.idx.msk [tilespmem:v3+s12+$0x0], $0xffff;
	_ =	sdelay $0x1  }
0xe4: {  	v3 =	vor.u32 $0x13, v1;
	_ =	sdelay $0x3  }
0xe5: {  	[tilespmem:s17+$0xCC00] =	vst v2  }
0xe6: {  	v2 =	vld.idx.msk [tilespmem:v3+s12+$0x0], $0xffff;
	_ =	sdelay $0x1  }
0xe7: {  	v3 =	vor.u32 $0x14, v1;
	_ =	sdelay $0x3  }
0xe8: {  	[tilespmem:s17+$0xD000] =	vst v2  }
0xe9: {  	v2 =	vld.idx.msk [tilespmem:v3+s12+$0x0], $0xffff;
	_ =	sdelay $0x1  }
0xea: {  	v3 =	vor.u32 $0x15, v1;
	_ =	sdelay $0x3  }
0xeb: {  	[tilespmem:s17+$0xD400] =	vst v2  }
0xec: {  	v2 =	vld.idx.msk [tilespmem:v3+s12+$0x0], $0xffff;
	_ =	sdelay $0x1  }
0xed: {  	v3 =	vor.u32 $0x16, v1;
	_ =	sdelay $0x3  }
0xee: {  	[tilespmem:s17+$0xD800] =	vst v2  }
0xef: {  	v2 =	vld.idx.msk [tilespmem:v3+s12+$0x0], $0xffff;
	_ =	sdelay $0x1  }
0xf0: {  	v3 =	vor.u32 $0x17, v1;
	_ =	sdelay $0x3  }
0xf1: {  	[tilespmem:s17+$0xDC00] =	vst v2  }
0xf2: {  	v2 =	vld.idx.msk [tilespmem:v3+s12+$0x0], $0xffff;
	_ =	sdelay $0x1  }
0xf3: {  	v3 =	vor.u32 $0x18, v1;
	_ =	sdelay $0x3  }
0xf4: {  	[tilespmem:s17+$0xE000] =	vst v2  }
0xf5: {  	v2 =	vld.idx.msk [tilespmem:v3+s12+$0x0], $0xffff;
	_ =	sdelay $0x1  }
0xf6: {  	v3 =	vor.u32 $0x19, v1;
	_ =	sdelay $0x3  }
0xf7: {  	[tilespmem:s17+$0xE400] =	vst v2  }
0xf8: {  	v2 =	vld.idx.msk [tilespmem:v3+s12+$0x0], $0xffff;
	_ =	sdelay $0x1  }
0xf9: {  	v3 =	vor.u32 $0x1A, v1;
	_ =	sdelay $0x3  }
0xfa: {  	[tilespmem:s17+$0xE800] =	vst v2  }
0xfb: {  	v2 =	vld.idx.msk [tilespmem:v3+s12+$0x0], $0xffff;
	_ =	sdelay $0x1  }
0xfc: {  	v3 =	vor.u32 $0x1B, v1;
	_ =	sdelay $0x3  }
0xfd: {  	[tilespmem:s17+$0xEC00] =	vst v2  }
0xfe: {  	v2 =	vld.idx.msk [tilespmem:v3+s12+$0x0], $0xffff;
	_ =	sdelay $0x1  }
0xff: {  	v3 =	vor.u32 $0x1C, v1;
	_ =	sdelay $0x3  }
0x100: {  	[tilespmem:s17+$0xF000] =	vst v2  }
0x101: {  	v2 =	vld.idx.msk [tilespmem:v3+s12+$0x0], $0xffff;
	_ =	sdelay $0x1  }
0x102: {  	v3 =	vor.u32 $0x1D, v1;
	_ =	sdelay $0x3  }
0x103: {  	[tilespmem:s17+$0xF400] =	vst v2  }
0x104: {  	v2 =	vld.idx.msk [tilespmem:v3+s12+$0x0], $0xffff;
	_ =	sdelay $0x1  }
0x105: {  	v3 =	vor.u32 $0x1E, v1;
	_ =	sdelay $0x3  }
0x106: {  	[tilespmem:s17+$0xF800] =	vst v2  }
0x107: {  	v2 =	vld.idx.msk [tilespmem:v3+s12+$0x0], $0xffff;
	_ =	sdelay $0x1  }
0x108: {  	v3 =	vor.u32 $0x1F, v1  }
.Ltmp0:
0x109: {  	(pc) =	sbr.rel @p0 .LBB2_3-.Ltmp0, $3  }
0x10a: {  	_ =	sdelay $0x1  }
0x10b: {  	s19 =	sadd.s32 $0x10, s19;
	[tilespmem:s17+$0xFC00] =	vst v2  }
0x10c: {  	s20 =	sadd.s32 $0x40, s20;
	v1 =	vmov s19;
	v2 =	vld.idx.msk [tilespmem:v3+s12+$0x0], $0xffff  }
0x10d: {  	v1 =	vshll.u32 v1, $0x5  }
0x10e: {  	v1 =	vor.u32 v0, v1;
	_ =	sdelay $0x3  }
0x10f: {  	[tilespmem:s17+$0x10000] =	vst v2  }
0x110: {  	v2 =	vld.idx.msk [tilespmem:v1+s12+$0x0], $0xffff  }
0x111: {  	v3 =	vor.u32 $0x1, v1;
	_ =	sdelay $0x2  }
0x112: {  	s19 =	sshra.s32 s18, $0x2  }
0x113: {  	[tilespmem:s19+$0x8400] =	vst v2  }
0x114: {  	v2 =	vld.idx.msk [tilespmem:v3+s12+$0x0], $0xffff  }
0x115: {  	v3 =	vor.u32 $0x2, v1;
	_ =	sdelay $0x3  }
0x116: {  	[tilespmem:s19+$0x8800] =	vst v2  }
0x117: {  	v2 =	vld.idx.msk [tilespmem:v3+s12+$0x0], $0xffff  }
0x118: {  	v3 =	vor.u32 $0x3, v1;
	_ =	sdelay $0x3  }
0x119: {  	[tilespmem:s19+$0x8C00] =	vst v2  }
0x11a: {  	v2 =	vld.idx.msk [tilespmem:v3+s12+$0x0], $0xffff  }
0x11b: {  	v3 =	vor.u32 $0x4, v1;
	_ =	sdelay $0x3  }
0x11c: {  	[tilespmem:s19+$0x9000] =	vst v2  }
0x11d: {  	v2 =	vld.idx.msk [tilespmem:v3+s12+$0x0], $0xffff  }
0x11e: {  	v3 =	vor.u32 $0x5, v1;
	_ =	sdelay $0x3  }
0x11f: {  	[tilespmem:s19+$0x9400] =	vst v2  }
0x120: {  	v2 =	vld.idx.msk [tilespmem:v3+s12+$0x0], $0xffff  }
0x121: {  	v3 =	vor.u32 $0x6, v1;
	_ =	sdelay $0x3  }
0x122: {  	[tilespmem:s19+$0x9800] =	vst v2  }
0x123: {  	v2 =	vld.idx.msk [tilespmem:v3+s12+$0x0], $0xffff  }
0x124: {  	v3 =	vor.u32 $0x7, v1;
	_ =	sdelay $0x3  }
0x125: {  	[tilespmem:s19+$0x9C00] =	vst v2  }
0x126: {  	v2 =	vld.idx.msk [tilespmem:v3+s12+$0x0], $0xffff  }
0x127: {  	v3 =	vor.u32 $0x8, v1;
	_ =	sdelay $0x3  }
0x128: {  	[tilespmem:s19+$0xA000] =	vst v2  }
0x129: {  	v2 =	vld.idx.msk [tilespmem:v3+s12+$0x0], $0xffff  }
0x12a: {  	v3 =	vor.u32 $0x9, v1;
	_ =	sdelay $0x3  }
0x12b: {  	[tilespmem:s19+$0xA400] =	vst v2  }
0x12c: {  	v2 =	vld.idx.msk [tilespmem:v3+s12+$0x0], $0xffff  }
0x12d: {  	v3 =	vor.u32 $0xA, v1;
	_ =	sdelay $0x3  }
0x12e: {  	[tilespmem:s19+$0xA800] =	vst v2  }
0x12f: {  	v2 =	vld.idx.msk [tilespmem:v3+s12+$0x0], $0xffff  }
0x130: {  	v3 =	vor.u32 $0xB, v1;
	_ =	sdelay $0x3  }
0x131: {  	[tilespmem:s19+$0xAC00] =	vst v2  }
0x132: {  	v2 =	vld.idx.msk [tilespmem:v3+s12+$0x0], $0xffff  }
0x133: {  	v3 =	vor.u32 $0xC, v1;
	_ =	sdelay $0x3  }
0x134: {  	[tilespmem:s19+$0xB000] =	vst v2  }
0x135: {  	v2 =	vld.idx.msk [tilespmem:v3+s12+$0x0], $0xffff  }
0x136: {  	v3 =	vor.u32 $0xD, v1;
	_ =	sdelay $0x3  }
0x137: {  	[tilespmem:s19+$0xB400] =	vst v2  }
0x138: {  	v2 =	vld.idx.msk [tilespmem:v3+s12+$0x0], $0xffff  }
0x139: {  	v3 =	vor.u32 $0xE, v1;
	_ =	sdelay $0x3  }
0x13a: {  	[tilespmem:s19+$0xB800] =	vst v2  }
0x13b: {  	v2 =	vld.idx.msk [tilespmem:v3+s12+$0x0], $0xffff  }
0x13c: {  	v3 =	vor.u32 $0xF, v1;
	_ =	sdelay $0x3  }
0x13d: {  	[tilespmem:s19+$0xBC00] =	vst v2  }
0x13e: {  	v2 =	vld.idx.msk [tilespmem:v3+s12+$0x0], $0xffff  }
0x13f: {  	v3 =	vor.u32 $0x10, v1;
	_ =	sdelay $0x3  }
0x140: {  	[tilespmem:s19+$0xC000] =	vst v2  }
0x141: {  	v2 =	vld.idx.msk [tilespmem:v3+s12+$0x0], $0xffff  }
0x142: {  	v3 =	vor.u32 $0x11, v1;
	_ =	sdelay $0x3  }
0x143: {  	[tilespmem:s19+$0xC400] =	vst v2  }
0x144: {  	v2 =	vld.idx.msk [tilespmem:v3+s12+$0x0], $0xffff  }
0x145: {  	v3 =	vor.u32 $0x12, v1;
	_ =	sdelay $0x3  }
0x146: {  	[tilespmem:s19+$0xC800] =	vst v2  }
0x147: {  	v2 =	vld.idx.msk [tilespmem:v3+s12+$0x0], $0xffff  }
0x148: {  	v3 =	vor.u32 $0x13, v1;
	_ =	sdelay $0x3  }
0x149: {  	[tilespmem:s19+$0xCC00] =	vst v2  }
0x14a: {  	v2 =	vld.idx.msk [tilespmem:v3+s12+$0x0], $0xffff  }
0x14b: {  	v3 =	vor.u32 $0x14, v1;
	_ =	sdelay $0x3  }
0x14c: {  	[tilespmem:s19+$0xD000] =	vst v2  }
0x14d: {  	v2 =	vld.idx.msk [tilespmem:v3+s12+$0x0], $0xffff  }
0x14e: {  	v3 =	vor.u32 $0x15, v1;
	_ =	sdelay $0x3  }
0x14f: {  	[tilespmem:s19+$0xD400] =	vst v2  }
0x150: {  	v2 =	vld.idx.msk [tilespmem:v3+s12+$0x0], $0xffff  }
0x151: {  	v3 =	vor.u32 $0x16, v1;
	_ =	sdelay $0x3  }
0x152: {  	[tilespmem:s19+$0xD800] =	vst v2  }
0x153: {  	v2 =	vld.idx.msk [tilespmem:v3+s12+$0x0], $0xffff  }
0x154: {  	v3 =	vor.u32 $0x17, v1;
	_ =	sdelay $0x3  }
0x155: {  	[tilespmem:s19+$0xDC00] =	vst v2  }
0x156: {  	v2 =	vld.idx.msk [tilespmem:v3+s12+$0x0], $0xffff  }
0x157: {  	v3 =	vor.u32 $0x18, v1;
	_ =	sdelay $0x3  }
0x158: {  	[tilespmem:s19+$0xE000] =	vst v2  }
0x159: {  	v2 =	vld.idx.msk [tilespmem:v3+s12+$0x0], $0xffff  }
0x15a: {  	v3 =	vor.u32 $0x19, v1;
	_ =	sdelay $0x3  }
0x15b: {  	[tilespmem:s19+$0xE400] =	vst v2  }
0x15c: {  	v2 =	vld.idx.msk [tilespmem:v3+s12+$0x0], $0xffff  }
0x15d: {  	v3 =	vor.u32 $0x1A, v1;
	_ =	sdelay $0x3  }
0x15e: {  	[tilespmem:s19+$0xE800] =	vst v2  }
0x15f: {  	v2 =	vld.idx.msk [tilespmem:v3+s12+$0x0], $0xffff  }
0x160: {  	v3 =	vor.u32 $0x1B, v1;
	_ =	sdelay $0x3  }
0x161: {  	[tilespmem:s19+$0xEC00] =	vst v2  }
0x162: {  	v2 =	vld.idx.msk [tilespmem:v3+s12+$0x0], $0xffff  }
0x163: {  	v3 =	vor.u32 $0x1C, v1;
	_ =	sdelay $0x3  }
0x164: {  	[tilespmem:s19+$0xF000] =	vst v2  }
0x165: {  	v2 =	vld.idx.msk [tilespmem:v3+s12+$0x0], $0xffff  }
0x166: {  	v3 =	vor.u32 $0x1D, v1;
	_ =	sdelay $0x3  }
0x167: {  	[tilespmem:s19+$0xF400] =	vst v2  }
0x168: {  	v2 =	vld.idx.msk [tilespmem:v3+s12+$0x0], $0xffff  }
0x169: {  	v3 =	vor.u32 $0x1E, v1;
	_ =	sdelay $0x3  }
0x16a: {  	[tilespmem:s19+$0xF800] =	vst v2  }
0x16b: {  	v2 =	vld.idx.msk [tilespmem:v3+s12+$0x0], $0xffff  }
0x16c: {  	v1 =	vor.u32 $0x1F, v1;
	_ =	sdelay $0x3  }
0x16d: {  	[tilespmem:s19+$0xFC00] =	vst v2  }
0x16e: {  	v1 =	vld.idx.msk [tilespmem:v1+s12+$0x0], $0xffff;
	_ =	sdelay $0x3  }
0x16f: {  	s16 =	sand.u32 $0x7F80, s16;
	s20 =	rddreg [dreg:$0x5]  }
0x170: {  	s16 =	sor.u32 s20, s16;
	[tilespmem:s19+$0x10000] =	vst v1;
	s19 =	rddreg [dreg:$0x3]  }
0x171: {  	s20 =	simm.s32 $0x8400;
	s17 =	sadd.s32 s19, s16;
	s19 =	rddreg [dreg:$0x6]  }
0x172: {  	[hbm4b:s17+s1] =	stream.linear.scatter [tilespmem:s20], [sflag:$0x2], $0x400, $0x38;
	[tilespmem:$0x10400] =	vst v63  }
0x173: {  	s17 =	sadd.s32 s16, s19;
	s20 =	simm.s32 $0x8800;
	s19 =	rddreg [dreg:$0x7]  }
0x174: {  	[hbm4b:s17+s1] =	stream.linear.scatter [tilespmem:s20], [sflag:$0x2], $0x400, $0x38;
	[tilespmem:$0x10400] =	vst v63  }
0x175: {  	s17 =	sadd.s32 s16, s19;
	s20 =	simm.s32 $0x8C00;
	s19 =	rddreg [dreg:$0x8]  }
0x176: {  	[hbm4b:s17+s1] =	stream.linear.scatter [tilespmem:s20], [sflag:$0x2], $0x400, $0x38;
	[tilespmem:$0x10400] =	vst v63  }
0x177: {  	s17 =	sadd.s32 s16, s19;
	s20 =	simm.s32 $0x9000;
	s19 =	rddreg [dreg:$0x9]  }
0x178: {  	[hbm4b:s17+s1] =	stream.linear.scatter [tilespmem:s20], [sflag:$0x2], $0x400, $0x38;
	[tilespmem:$0x10400] =	vst v63  }
0x179: {  	s17 =	sadd.s32 s16, s19;
	s20 =	simm.s32 $0x9400;
	s19 =	rddreg [dreg:$0xa]  }
0x17a: {  	[hbm4b:s17+s1] =	stream.linear.scatter [tilespmem:s20], [sflag:$0x2], $0x400, $0x38;
	[tilespmem:$0x10400] =	vst v63  }
0x17b: {  	s17 =	sadd.s32 s16, s19;
	s20 =	simm.s32 $0x9800;
	s19 =	rddreg [dreg:$0xb]  }
0x17c: {  	[hbm4b:s17+s1] =	stream.linear.scatter [tilespmem:s20], [sflag:$0x2], $0x400, $0x38;
	[tilespmem:$0x10400] =	vst v63  }
0x17d: {  	s17 =	sadd.s32 s16, s19;
	s20 =	simm.s32 $0x9C00;
	s19 =	rddreg [dreg:$0xc]  }
0x17e: {  	[hbm4b:s17+s1] =	stream.linear.scatter [tilespmem:s20], [sflag:$0x2], $0x400, $0x38;
	[tilespmem:$0x10400] =	vst v63  }
0x17f: {  	s17 =	sadd.s32 s16, s19;
	s20 =	simm.s32 $0xA000;
	s19 =	rddreg [dreg:$0xd]  }
0x180: {  	[hbm4b:s17+s1] =	stream.linear.scatter [tilespmem:s20], [sflag:$0x2], $0x400, $0x38;
	[tilespmem:$0x10400] =	vst v63  }
0x181: {  	s17 =	sadd.s32 s16, s19;
	s20 =	simm.s32 $0xA400;
	s19 =	rddreg [dreg:$0xe]  }
0x182: {  	[hbm4b:s17+s1] =	stream.linear.scatter [tilespmem:s20], [sflag:$0x2], $0x400, $0x38;
	[tilespmem:$0x10400] =	vst v63  }
0x183: {  	s17 =	sadd.s32 s16, s19;
	s20 =	simm.s32 $0xA800;
	s19 =	rddreg [dreg:$0xf]  }
0x184: {  	[hbm4b:s17+s1] =	stream.linear.scatter [tilespmem:s20], [sflag:$0x2], $0x400, $0x38;
	[tilespmem:$0x10400] =	vst v63  }
0x185: {  	s17 =	sadd.s32 s16, s19;
	s20 =	simm.s32 $0xAC00;
	s19 =	rddreg [dreg:$0x10]  }
0x186: {  	[hbm4b:s17+s1] =	stream.linear.scatter [tilespmem:s20], [sflag:$0x2], $0x400, $0x38;
	[tilespmem:$0x10400] =	vst v63  }
0x187: {  	s17 =	sadd.s32 s16, s19;
	s20 =	simm.s32 $0xB000;
	s19 =	rddreg [dreg:$0x11]  }
0x188: {  	[hbm4b:s17+s1] =	stream.linear.scatter [tilespmem:s20], [sflag:$0x2], $0x400, $0x38;
	[tilespmem:$0x10400] =	vst v63  }
0x189: {  	s17 =	sadd.s32 s16, s19;
	s20 =	simm.s32 $0xB400;
	s19 =	rddreg [dreg:$0x12]  }
0x18a: {  	[hbm4b:s17+s1] =	stream.linear.scatter [tilespmem:s20], [sflag:$0x2], $0x400, $0x38;
	[tilespmem:$0x10400] =	vst v63  }
0x18b: {  	s17 =	sadd.s32 s16, s19;
	s20 =	simm.s32 $0xB800  }
0x18c: {  	[hbm4b:s17+s1] =	stream.linear.scatter [tilespmem:s20], [sflag:$0x2], $0x400, $0x38;
	[tilespmem:$0x10400] =	vst v63  }
0x18d: {  	s19 =	sadd.s32 s16, s21;
	s20 =	simm.s32 $0xBC00  }
0x18e: {  	[hbm4b:s19+s1] =	stream.linear.scatter [tilespmem:s20], [sflag:$0x2], $0x400, $0x38;
	[tilespmem:$0x10400] =	vst v63  }
0x18f: {  	s19 =	sadd.s32 s16, s22;
	s20 =	simm.s32 $0xC000  }
0x190: {  	[hbm4b:s19+s1] =	stream.linear.scatter [tilespmem:s20], [sflag:$0x2], $0x400, $0x38;
	[tilespmem:$0x10400] =	vst v63  }
0x191: {  	s19 =	sadd.s32 s16, s23;
	s20 =	simm.s32 $0xC400  }
0x192: {  	[hbm4b:s19+s1] =	stream.linear.scatter [tilespmem:s20], [sflag:$0x2], $0x400, $0x38;
	[tilespmem:$0x10400] =	vst v63  }
0x193: {  	s19 =	sadd.s32 s16, s24;
	s20 =	simm.s32 $0xC800  }
0x194: {  	[hbm4b:s19+s1] =	stream.linear.scatter [tilespmem:s20], [sflag:$0x2], $0x400, $0x38;
	[tilespmem:$0x10400] =	vst v63  }
0x195: {  	s19 =	sadd.s32 s16, s25;
	s20 =	simm.s32 $0xCC00  }
0x196: {  	[hbm4b:s19+s1] =	stream.linear.scatter [tilespmem:s20], [sflag:$0x2], $0x400, $0x38;
	[tilespmem:$0x10400] =	vst v63  }
0x197: {  	s19 =	sadd.s32 s16, s26;
	s20 =	simm.s32 $0xD000  }
0x198: {  	[hbm4b:s19+s1] =	stream.linear.scatter [tilespmem:s20], [sflag:$0x2], $0x400, $0x38;
	[tilespmem:$0x10400] =	vst v63  }
0x199: {  	s19 =	sadd.s32 s16, s28;
	s20 =	simm.s32 $0xD400  }
0x19a: {  	[hbm4b:s19+s1] =	stream.linear.scatter [tilespmem:s20], [sflag:$0x2], $0x400, $0x38;
	[tilespmem:$0x10400] =	vst v63  }
0x19b: {  	s19 =	sadd.s32 s16, s29;
	s20 =	simm.s32 $0xD800  }
0x19c: {  	[hbm4b:s19+s1] =	stream.linear.scatter [tilespmem:s20], [sflag:$0x2], $0x400, $0x38;
	[tilespmem:$0x10400] =	vst v63  }
0x19d: {  	s19 =	sadd.s32 s16, s30;
	s20 =	simm.s32 $0xDC00  }
0x19e: {  	[hbm4b:s19+s1] =	stream.linear.scatter [tilespmem:s20], [sflag:$0x2], $0x400, $0x38;
	[tilespmem:$0x10400] =	vst v63  }
0x19f: {  	s19 =	sadd.s32 s16, s31;
	s20 =	simm.s32 $0xE000  }
0x1a0: {  	[hbm4b:s19+s1] =	stream.linear.scatter [tilespmem:s20], [sflag:$0x2], $0x400, $0x38;
	[tilespmem:$0x10400] =	vst v63  }
0x1a1: {  	s19 =	sadd.s32 s16, s0;
	s20 =	simm.s32 $0xE400  }
0x1a2: {  	[hbm4b:s19+s1] =	stream.linear.scatter [tilespmem:s20], [sflag:$0x2], $0x400, $0x38;
	[tilespmem:$0x10400] =	vst v63  }
0x1a3: {  	s19 =	sadd.s32 s16, s2;
	s20 =	simm.s32 $0xE800  }
0x1a4: {  	[hbm4b:s19+s1] =	stream.linear.scatter [tilespmem:s20], [sflag:$0x2], $0x400, $0x38;
	[tilespmem:$0x10400] =	vst v63  }
0x1a5: {  	s19 =	sadd.s32 s16, s3;
	s20 =	simm.s32 $0xEC00  }
0x1a6: {  	[hbm4b:s19+s1] =	stream.linear.scatter [tilespmem:s20], [sflag:$0x2], $0x400, $0x38;
	[tilespmem:$0x10400] =	vst v63  }
0x1a7: {  	s19 =	sadd.s32 s16, s5;
	s20 =	simm.s32 $0xF000  }
0x1a8: {  	[hbm4b:s19+s1] =	stream.linear.scatter [tilespmem:s20], [sflag:$0x2], $0x400, $0x38;
	[tilespmem:$0x10400] =	vst v63  }
0x1a9: {  	s19 =	sadd.s32 s16, s6;
	s20 =	simm.s32 $0xF400  }
0x1aa: {  	[hbm4b:s19+s1] =	stream.linear.scatter [tilespmem:s20], [sflag:$0x2], $0x400, $0x38;
	[tilespmem:$0x10400] =	vst v63  }
0x1ab: {  	s19 =	sadd.s32 s16, s7;
	s20 =	simm.s32 $0xF800  }
0x1ac: {  	[hbm4b:s19+s1] =	stream.linear.scatter [tilespmem:s20], [sflag:$0x2], $0x400, $0x38;
	[tilespmem:$0x10400] =	vst v63  }
0x1ad: {  	s18 =	sadd.s32 s16, s8;
	s19 =	simm.s32 $0xFC00  }
0x1ae: {  	[hbm4b:s18+s1] =	stream.linear.scatter [tilespmem:s19], [sflag:$0x2], $0x400, $0x38;
	[tilespmem:$0x10400] =	vst v63  }
0x1af: {  	s16 =	sadd.s32 s16, s9;
	s20 =	simm.s32 $0x10000  }
0x1b0: {  	[hbm4b:s16+s1] =	stream.linear.scatter [tilespmem:s20], [sflag:$0x2], $0x400, $0x38;
	[tilespmem:$0x10400] =	vst v63  }
0x1b1: {  	_ =	swait.ge [sflag:s14], $0x400  }
0x1b2: {  	[sflag:s14] =	ssyncset.done $0x0  }
0x1b3: {  	[sflag:s14] =	ssyncadd.s32 $0xFFFFFC00  }
0x1b4: {  	_ =	swait.ge [sflag:s14], $0x400  }
0x1b5: {  	[sflag:s14] =	ssyncset.done $0x0  }
0x1b6: {  	[sflag:s14] =	ssyncadd.s32 $0xFFFFFC00  }
0x1b7: {  	_ =	swait.ge [sflag:s14], $0x400  }
0x1b8: {  	[sflag:s14] =	ssyncset.done $0x0  }
0x1b9: {  	[sflag:s14] =	ssyncadd.s32 $0xFFFFFC00  }
0x1ba: {  	_ =	swait.ge [sflag:s14], $0x400  }
0x1bb: {  	[sflag:s14] =	ssyncset.done $0x0  }
0x1bc: {  	[sflag:s14] =	ssyncadd.s32 $0xFFFFFC00  }
0x1bd: {  	_ =	swait.ge [sflag:s14], $0x400  }
0x1be: {  	[sflag:s14] =	ssyncset.done $0x0  }
0x1bf: {  	[sflag:s14] =	ssyncadd.s32 $0xFFFFFC00  }
0x1c0: {  	_ =	swait.ge [sflag:s14], $0x400  }
0x1c1: {  	[sflag:s14] =	ssyncset.done $0x0  }
0x1c2: {  	[sflag:s14] =	ssyncadd.s32 $0xFFFFFC00  }
0x1c3: {  	_ =	swait.ge [sflag:s14], $0x400  }
0x1c4: {  	[sflag:s14] =	ssyncset.done $0x0  }
0x1c5: {  	[sflag:s14] =	ssyncadd.s32 $0xFFFFFC00  }
0x1c6: {  	_ =	swait.ge [sflag:s14], $0x400  }
0x1c7: {  	[sflag:s14] =	ssyncset.done $0x0  }
0x1c8: {  	[sflag:s14] =	ssyncadd.s32 $0xFFFFFC00  }
0x1c9: {  	_ =	swait.ge [sflag:s14], $0x400  }
0x1ca: {  	[sflag:s14] =	ssyncset.done $0x0  }
0x1cb: {  	[sflag:s14] =	ssyncadd.s32 $0xFFFFFC00  }
0x1cc: {  	_ =	swait.ge [sflag:s14], $0x400  }
0x1cd: {  	[sflag:s14] =	ssyncset.done $0x0  }
0x1ce: {  	[sflag:s14] =	ssyncadd.s32 $0xFFFFFC00  }
0x1cf: {  	_ =	swait.ge [sflag:s14], $0x400  }
0x1d0: {  	[sflag:s14] =	ssyncset.done $0x0  }
0x1d1: {  	[sflag:s14] =	ssyncadd.s32 $0xFFFFFC00  }
0x1d2: {  	_ =	swait.ge [sflag:s14], $0x400  }
0x1d3: {  	[sflag:s14] =	ssyncset.done $0x0  }
0x1d4: {  	[sflag:s14] =	ssyncadd.s32 $0xFFFFFC00  }
0x1d5: {  	_ =	swait.ge [sflag:s14], $0x400  }
0x1d6: {  	[sflag:s14] =	ssyncset.done $0x0  }
0x1d7: {  	[sflag:s14] =	ssyncadd.s32 $0xFFFFFC00  }
0x1d8: {  	_ =	swait.ge [sflag:s14], $0x400  }
0x1d9: {  	[sflag:s14] =	ssyncset.done $0x0  }
0x1da: {  	[sflag:s14] =	ssyncadd.s32 $0xFFFFFC00  }
0x1db: {  	_ =	swait.ge [sflag:s14], $0x400  }
0x1dc: {  	[sflag:s14] =	ssyncset.done $0x0  }
0x1dd: {  	[sflag:s14] =	ssyncadd.s32 $0xFFFFFC00  }
0x1de: {  	_ =	swait.ge [sflag:s14], $0x400  }
0x1df: {  	[sflag:s14] =	ssyncset.done $0x0  }
0x1e0: {  	[sflag:s14] =	ssyncadd.s32 $0xFFFFFC00  }
0x1e1: {  	_ =	swait.ge [sflag:s14], $0x400  }
0x1e2: {  	[sflag:s14] =	ssyncset.done $0x0  }
0x1e3: {  	[sflag:s14] =	ssyncadd.s32 $0xFFFFFC00  }
0x1e4: {  	_ =	swait.ge [sflag:s14], $0x400  }
0x1e5: {  	[sflag:s14] =	ssyncset.done $0x0  }
0x1e6: {  	[sflag:s14] =	ssyncadd.s32 $0xFFFFFC00  }
0x1e7: {  	_ =	swait.ge [sflag:s14], $0x400  }
0x1e8: {  	[sflag:s14] =	ssyncset.done $0x0  }
0x1e9: {  	[sflag:s14] =	ssyncadd.s32 $0xFFFFFC00  }
0x1ea: {  	_ =	swait.ge [sflag:s14], $0x400  }
0x1eb: {  	[sflag:s14] =	ssyncset.done $0x0  }
0x1ec: {  	[sflag:s14] =	ssyncadd.s32 $0xFFFFFC00  }
0x1ed: {  	_ =	swait.ge [sflag:s14], $0x400  }
0x1ee: {  	[sflag:s14] =	ssyncset.done $0x0  }
0x1ef: {  	[sflag:s14] =	ssyncadd.s32 $0xFFFFFC00  }
0x1f0: {  	_ =	swait.ge [sflag:s14], $0x400  }
0x1f1: {  	[sflag:s14] =	ssyncset.done $0x0  }
0x1f2: {  	[sflag:s14] =	ssyncadd.s32 $0xFFFFFC00  }
0x1f3: {  	_ =	swait.ge [sflag:s14], $0x400  }
0x1f4: {  	[sflag:s14] =	ssyncset.done $0x0  }
0x1f5: {  	[sflag:s14] =	ssyncadd.s32 $0xFFFFFC00  }
0x1f6: {  	_ =	swait.ge [sflag:s14], $0x400  }
0x1f7: {  	[sflag:s14] =	ssyncset.done $0x0  }
0x1f8: {  	[sflag:s14] =	ssyncadd.s32 $0xFFFFFC00  }
0x1f9: {  	_ =	swait.ge [sflag:s14], $0x400  }
0x1fa: {  	[sflag:s14] =	ssyncset.done $0x0  }
0x1fb: {  	[sflag:s14] =	ssyncadd.s32 $0xFFFFFC00  }
0x1fc: {  	_ =	swait.ge [sflag:s14], $0x400  }
0x1fd: {  	[sflag:s14] =	ssyncset.done $0x0  }
0x1fe: {  	[sflag:s14] =	ssyncadd.s32 $0xFFFFFC00  }
0x1ff: {  	_ =	swait.ge [sflag:s14], $0x400  }
0x200: {  	[sflag:s14] =	ssyncset.done $0x0  }
0x201: {  	[sflag:s14] =	ssyncadd.s32 $0xFFFFFC00  }
0x202: {  	_ =	swait.ge [sflag:s14], $0x400  }
0x203: {  	[sflag:s14] =	ssyncset.done $0x0  }
0x204: {  	[sflag:s14] =	ssyncadd.s32 $0xFFFFFC00  }
0x205: {  	_ =	swait.ge [sflag:s14], $0x400  }
0x206: {  	[sflag:s14] =	ssyncset.done $0x0  }
0x207: {  	[sflag:s14] =	ssyncadd.s32 $0xFFFFFC00  }
0x208: {  	_ =	swait.ge [sflag:s14], $0x400  }
0x209: {  	[sflag:s14] =	ssyncset.done $0x0  }
0x20a: {  	s15 =	sadd.s32 $0x1, s15;
	[sflag:s14] =	ssyncadd.s32 $0xFFFFFC00  }
0x20b: {  	p0 =	sne.s32 s15, $0x20;
	_ =	swait.ge [sflag:s14], $0x400  }
.Ltmp1:
0x20c: {  	[sflag:s14] =	ssyncset.done $0x0;
	(pc) =	sbr.rel @p0 .LBB2_2-.Ltmp1, $4  }
0x20d: {  	[sflag:s14] =	ssyncadd.s32 $0xFFFFFC00  }
0x20e: {  	_ =	swait.ge [sflag:s14], $0x400  }
0x20f: {  	[sflag:s14] =	ssyncset.done $0x0  }
0x210: {  	[sflag:s14] =	ssyncadd.s32 $0xFFFFFC00  }
0x211: {  	s16 =	rddreg [dreg:$0x14]  }
0x212: {  	s15 =	rddreg [dreg:$0x13];
	s16 =	sadd.s32 $0x1, s16  }
0x213: {  	p0 =	sne.s32 s16, s15  }
.Ltmp2:
0x214: {  	_ = 	snop;
	(pc) =	sbr.rel @p0 .LBB2_1-.Ltmp2, $1  }
0x215: {  	_ =	sdelay $0x3  }
0x216: {  	_ =	sfence.sel $0x180000  }
0x217: {  	[bflag:$0x0] =	sbarrier.arrive $0xFFFF  }
0x218: {  	_ =	strace $0x90000047  }
0x219: {  	s0 =	stileid.u32;
	[bflag:$0x2] =	sbarrier.arrive $0xFFFF  }
0x21a: {  	p0 =	sne.s32 s0, $0x0;
	s0 =	rddreg [dreg:$0x1]  }
0x21b: {  	s0 =	sadd.s32 @!p0 $0x100000, s0  }
0x21c: {  	[sflag:s0] =	ssyncadd.tile.s32 @!p0 $0x1;
	_ =	shalt  }
.Lfunc_end2:
_tile_overlayer_lowered:
.L_overlay_start_2:
0x21d: {  	(tag) =	ssettag $0x2  }
0x21e: {  	s0 =	rddreg [dreg:$0x0];
	s2 =	stileid.u32  }
0x21f: {  	s1 =	rddreg [dreg:$0x1];
	p0 =	sne.s32 s2, $0x0  }
0x220: {  	s3 =	rddreg [dreg:$0x2];
	[bflag:$0x3] =	sbarrier.arrive $0xFFFF;
	s2 =	simm.s32 @!p0 $0x1C03  }
0x221: {  	[timem:s3], [sflag:s2] =	dma.local @!p0 [hbm:s0], s1  }
0x222: {  	s0 =	simm.s32 @!p0 $0x3  }
0x223: {  	_ =	swait.ge @!p0 [sflag:s0], s1  }
0x224: {  	s1 =	ssub.s32 @!p0 $0x0, s1;
	[sflag:s0] =	ssyncset.done @!p0 $0x0  }
0x225: {  	[sflag:s0] =	ssyncadd.s32 @!p0 s1  }
0x226: {  	[bflag:$0x3] =	sbarrier.arrive $0xFFFF  }
0x227: {  	_ =	shalt  }

</sc_bundles>
